<compile_context>
chip_gen: v7x
topology: tpu7x:2x2x1
jax: 0.10.2.dev20260603
libtpu: 0.0.44.dev20260713+nightly
codegen_flags: <defaults>
</compile_context>

<pallas_src>
import functools

import jax
import jax.numpy as jnp
from jax import lax
from jax.experimental import pallas as pl
from jax.experimental.pallas import tpu as pltpu
from jax.experimental.pallas import tpu_sc as plsc

_N = 327680
_D = 16
_ZCH = 1000000
_NC = 2
_NS = 16
_NW = _NC * _NS
_NPW = _N // _NW
_C = 1024
_NCH = _NPW // _C
_NBUF = 5
_NGRP = _NCH // _NBUF
_L = 16

_MESH = plsc.VectorSubcoreMesh(core_axis_name="c", subcore_axis_name="s")
_SC_PARAMS = pltpu.CompilerParams(use_tc_tiling_on_sc=False)


def _worker_id():
  return lax.axis_index("s") * _NC + lax.axis_index("c")


def _make_remap_kernel():

  @functools.partial(
      pl.kernel,
      mesh=_MESH,
      compiler_params=_SC_PARAMS,
      out_type=[
          jax.ShapeDtypeStruct((_N,), jnp.int32),
          jax.ShapeDtypeStruct((_N,), jnp.int32),
      ],
      scratch_types=[pltpu.VMEM((_NPW,), jnp.int32)],
  )
  def remap_kernel(v0_hbm, v1_hbm, r0_hbm, r1_hbm, idx_v):
    base = _worker_id() * _NPW

    for vals_hbm, out_hbm in ((v0_hbm, r0_hbm), (v1_hbm, r1_hbm)):
      pltpu.sync_copy(vals_hbm.at[pl.ds(base, _NPW)], idx_v)

      def mod_body(i, carry):
        v = idx_v[pl.ds(i * _L, _L)]
        v = jnp.where(v >= 2 * _ZCH, v - 2 * _ZCH, v)
        v = jnp.where(v >= _ZCH, v - _ZCH, v)
        idx_v[pl.ds(i * _L, _L)] = v
        return carry

      lax.fori_loop(0, _NPW // _L, mod_body, 0)
      pltpu.sync_copy(idx_v, out_hbm.at[pl.ds(base, _NPW)])

  return remap_kernel


def _make_gather_kernel():

  @functools.partial(
      pl.kernel,
      mesh=_MESH,
      compiler_params=_SC_PARAMS,
      out_type=jax.ShapeDtypeStruct((_NW, _L), jnp.float32),
      scratch_types=[
          pltpu.VMEM((_NPW,), jnp.int32),
          pltpu.VMEM((_NBUF * _C,), jnp.float32),
          pltpu.VMEM((_L,), jnp.float32),
      ] + [pltpu.SemaphoreType.DMA] * _NBUF,
  )
  def gather_kernel(idx_hbm, rsum_hbm, parts_hbm, idx_v, vals_v, acc_v, *sems):
    wid = _worker_id()
    base = wid * _NPW
    pltpu.sync_copy(idx_hbm.at[pl.ds(base, _NPW)], idx_v)

    def start(c0, b):
      pltpu.async_copy(
          rsum_hbm.at[idx_v.at[pl.ds(c0, _C)]],
          vals_v.at[pl.ds(b * _C, _C)],
          sems[b])

    for b in range(_NBUF):
      start(b * _C, b)

    def group(g, accs):
      for b in range(_NBUF):
        c = g * _NBUF + b
        pltpu.make_async_copy(
            rsum_hbm.at[idx_v.at[pl.ds(0, _C)]],
            vals_v.at[pl.ds(b * _C, _C)],
            sems[b]).wait()

        def vec_body(r, accs, _b=b):
          rb = _b * _C + r * 4 * _L
          return tuple(a + vals_v[pl.ds(rb + k * _L, _L)]
                       for k, a in enumerate(accs))

        accs = lax.fori_loop(0, _C // (4 * _L), vec_body, accs)

        @pl.when(c + _NBUF < _NCH)
        def _refill(_b=b, _nxt=(c + _NBUF) * _C):
          start(_nxt, _b)

      return accs

    accs = tuple(jnp.zeros((_L,), jnp.float32) for _ in range(4))
    accs = lax.fori_loop(0, _NGRP, group, accs)
    acc_v[...] = (accs[0] + accs[1]) + (accs[2] + accs[3])
    pltpu.sync_copy(acc_v, parts_hbm.at[wid])

  return gather_kernel


_REMAP_KERNEL = _make_remap_kernel()
_GATHER_KERNEL = _make_gather_kernel()


def kernel(values_0, values_1, table_0, table_1):
  r0, r1 = _REMAP_KERNEL(values_0, values_1)
  rs0 = jnp.sum(table_0, axis=1)
  rs1 = jnp.sum(table_1, axis=1)
  parts_0 = _GATHER_KERNEL(r0, rs0)
  parts_1 = _GATHER_KERNEL(r1, rs1)
  loss = (jnp.sum(parts_0) + jnp.sum(parts_1)) / jnp.float32(2 * _N * _D)
  return (loss, r0, r1)

# --- scband reference (transcript-rebuilt; emitter-appended) ---
"""Pipeline reference for scband-sparse-arch-15324443312170 (READ-ONLY COPY).

The authoritative reference and input builder live on the scoring server;
editing this copy changes nothing except your own understanding.
"""

import jax, jax.numpy as jnp
import numpy as np

ZCH_SIZE = 1000000
EMBED_DIM = 16
INPUT_HASH_SIZE = 4000000
N_LOOKUPS = 327680


def setup_inputs(seed: int = 0) -> dict:
    key = jax.random.key(seed)
    k0, k1, k2, k3 = jax.random.split(key, 4)
    values_0 = jax.random.randint(k0, (N_LOOKUPS,), 0, INPUT_HASH_SIZE, dtype=jnp.int32)
    values_1 = jax.random.randint(k1, (N_LOOKUPS,), 0, INPUT_HASH_SIZE, dtype=jnp.int32)
    table_0 = jax.random.normal(k2, (ZCH_SIZE, EMBED_DIM), dtype=jnp.float32) * 0.01
    table_1 = jax.random.normal(k3, (ZCH_SIZE, EMBED_DIM), dtype=jnp.float32) * 0.01
    return {"values_0": values_0, "values_1": values_1, "table_0": table_0, "table_1": table_1}


def reference(values_0, values_1, table_0, table_1):
    # Managed-collision remap: raw ids in [0, INPUT_HASH_SIZE) are remapped into
    # the zch table space [0, ZCH_SIZE). The learned LRU/LFU eviction state is
    # approximated here by a deterministic modulo hash remap (same gather pattern
    # and same downstream math as the torchrec module at steady state).
    remapped_0 = jnp.mod(values_0, table_0.shape[0])
    remapped_1 = jnp.mod(values_1, table_1.shape[0])
    # EmbeddingCollection lookup per feature (sequence embeddings, no pooling)
    e0 = jnp.take(table_0, remapped_0, axis=0)
    e1 = jnp.take(table_1, remapped_1, axis=0)
    # pred = torch.cat([ec_out['feature_0'].values(), ec_out['feature_1'].values()], dim=0)
    pred = jnp.concatenate([e0, e1], axis=0)
    loss = pred.mean()
    return (loss, remapped_0, remapped_1)

if __name__ == "__main__":
    import jax
    _d = setup_inputs()
    print(jax.jit(kernel)(*tuple(_d.values())))

</pallas_src>

<mosaic_0001>
#map = affine_map<(d0, d1) -> (0)>
#map1 = affine_map<(d0, d1) -> (0, 0)>
module attributes {stable_mosaic.version = 14 : i64} {
  func.func @gather_kernel(%arg0: i32, %arg1: i32, %arg2: memref<327680xi32, #tpu.memory_space<hbm>>, %arg3: memref<1000000xf32, #tpu.memory_space<hbm>>, %arg4: memref<32x16xf32, #tpu.memory_space<hbm>>, %arg5: memref<10240xi32, #tpu.memory_space<vmem>>, %arg6: memref<5120xf32, #tpu.memory_space<vmem>>, %arg7: memref<16xf32, #tpu.memory_space<vmem>>, %arg8: memref<!tpu.dma_semaphore, #tpu.memory_space<semaphore_mem>>, %arg9: memref<!tpu.dma_semaphore, #tpu.memory_space<semaphore_mem>>, %arg10: memref<!tpu.dma_semaphore, #tpu.memory_space<semaphore_mem>>, %arg11: memref<!tpu.dma_semaphore, #tpu.memory_space<semaphore_mem>>, %arg12: memref<!tpu.dma_semaphore, #tpu.memory_space<semaphore_mem>>) attributes {dimension_semantics = [#tpu.dimension_semantics<core_parallel>, #tpu.dimension_semantics<subcore_parallel>], iteration_bounds = array<i64: 2, 16>, scalar_prefetch = 0 : i64, scratch_operands = 8 : i64, tpu.core_type = #tpu.core_type<sc_vector_subcore>, window_params = [{transform_indices = #map}, {transform_indices = #map}, {transform_indices = #map1}]} {
    %mul3A = arith.constant 2 : i32
    %mul3A_0 = arith.muli %arg1, %mul3A : i32
    %add3A = arith.addi %mul3A_0, %arg0 : i32
    %mul3A_1 = arith.constant 10240 : i32
    %mul3A_2 = arith.muli %add3A, %mul3A_1 : i32
    "tpu.region"() ({
      %run_scoped3A = tpu.sem_alloc : memref<!tpu.dma_semaphore, #tpu.memory_space<semaphore_mem>>
      %dma_start3A_50 = tpu.memref_slice %arg2[%mul3A_2] : memref<327680xi32, #tpu.memory_space<hbm>> -> memref<10240xi32, #tpu.memory_space<hbm>>
      %dma_start3A_51 = tpu.memref_slice %arg2[%mul3A_2] : memref<327680xi32, #tpu.memory_space<hbm>> -> memref<10240xi32, #tpu.memory_space<hbm>>
      tpu.enqueue_dma source(%dma_start3A_51 : memref<10240xi32, #tpu.memory_space<hbm>>) target(%arg5 : memref<10240xi32, #tpu.memory_space<vmem>>) target_semaphore(%run_scoped3A : memref<!tpu.dma_semaphore, #tpu.memory_space<semaphore_mem>>)
      %dma_wait3A = tpu.memref_slice %arg2[%mul3A_2] : memref<327680xi32, #tpu.memory_space<hbm>> -> memref<10240xi32, #tpu.memory_space<hbm>>
      %dma_wait3A_52 = tpu.memref_slice %arg2[%mul3A_2] : memref<327680xi32, #tpu.memory_space<hbm>> -> memref<10240xi32, #tpu.memory_space<hbm>>
      tpu.wait_dma2 semaphore(%run_scoped3A : memref<!tpu.dma_semaphore, #tpu.memory_space<semaphore_mem>>) src(%dma_wait3A_52 : memref<10240xi32, #tpu.memory_space<hbm>>) dst(%arg5 : memref<10240xi32, #tpu.memory_space<vmem>>)
      tpu.yield
    }) : () -> ()
    %dma_start3A = arith.constant 0 : i32
    %dma_start3A_3 = tpu.memref_slice %arg6[%dma_start3A] : memref<5120xf32, #tpu.memory_space<vmem>> -> memref<1024xf32, #tpu.memory_space<vmem>>
    %dma_start3A_4 = arith.constant 0 : i32
    %dma_start3A_5 = tpu.memref_slice %arg5[%dma_start3A_4] : memref<10240xi32, #tpu.memory_space<vmem>> -> memref<1024xi32, #tpu.memory_space<vmem>>
    %dma_start3A_6 = arith.constant 0 : i32
    %dma_start3A_7 = tpu.memref_slice %arg3[%dma_start3A_6] : memref<1000000xf32, #tpu.memory_space<hbm>> -> memref<1000000xf32, #tpu.memory_space<hbm>>
    tpu.enqueue_indirect_dma source(%dma_start3A_7 : memref<1000000xf32, #tpu.memory_space<hbm>>) target(%dma_start3A_3 : memref<1024xf32, #tpu.memory_space<vmem>>) offsets(%dma_start3A_5 : memref<1024xi32, #tpu.memory_space<vmem>>) semaphore(%arg8 : memref<!tpu.dma_semaphore, #tpu.memory_space<semaphore_mem>>)
    %dma_start3A_8 = arith.constant 1024 : i32
    %dma_start3A_9 = tpu.memref_slice %arg6[%dma_start3A_8] : memref<5120xf32, #tpu.memory_space<vmem>> -> memref<1024xf32, #tpu.memory_space<vmem>>
    %dma_start3A_10 = arith.constant 1024 : i32
    %dma_start3A_11 = tpu.memref_slice %arg5[%dma_start3A_10] : memref<10240xi32, #tpu.memory_space<vmem>> -> memref<1024xi32, #tpu.memory_space<vmem>>
    %dma_start3A_12 = arith.constant 0 : i32
    %dma_start3A_13 = tpu.memref_slice %arg3[%dma_start3A_12] : memref<1000000xf32, #tpu.memory_space<hbm>> -> memref<1000000xf32, #tpu.memory_space<hbm>>
    tpu.enqueue_indirect_dma source(%dma_start3A_13 : memref<1000000xf32, #tpu.memory_space<hbm>>) target(%dma_start3A_9 : memref<1024xf32, #tpu.memory_space<vmem>>) offsets(%dma_start3A_11 : memref<1024xi32, #tpu.memory_space<vmem>>) semaphore(%arg9 : memref<!tpu.dma_semaphore, #tpu.memory_space<semaphore_mem>>)
    %dma_start3A_14 = arith.constant 2048 : i32
    %dma_start3A_15 = tpu.memref_slice %arg6[%dma_start3A_14] : memref<5120xf32, #tpu.memory_space<vmem>> -> memref<1024xf32, #tpu.memory_space<vmem>>
    %dma_start3A_16 = arith.constant 2048 : i32
    %dma_start3A_17 = tpu.memref_slice %arg5[%dma_start3A_16] : memref<10240xi32, #tpu.memory_space<vmem>> -> memref<1024xi32, #tpu.memory_space<vmem>>
    %dma_start3A_18 = arith.constant 0 : i32
    %dma_start3A_19 = tpu.memref_slice %arg3[%dma_start3A_18] : memref<1000000xf32, #tpu.memory_space<hbm>> -> memref<1000000xf32, #tpu.memory_space<hbm>>
    tpu.enqueue_indirect_dma source(%dma_start3A_19 : memref<1000000xf32, #tpu.memory_space<hbm>>) target(%dma_start3A_15 : memref<1024xf32, #tpu.memory_space<vmem>>) offsets(%dma_start3A_17 : memref<1024xi32, #tpu.memory_space<vmem>>) semaphore(%arg10 : memref<!tpu.dma_semaphore, #tpu.memory_space<semaphore_mem>>)
    %dma_start3A_20 = arith.constant 3072 : i32
    %dma_start3A_21 = tpu.memref_slice %arg6[%dma_start3A_20] : memref<5120xf32, #tpu.memory_space<vmem>> -> memref<1024xf32, #tpu.memory_space<vmem>>
    %dma_start3A_22 = arith.constant 3072 : i32
    %dma_start3A_23 = tpu.memref_slice %arg5[%dma_start3A_22] : memref<10240xi32, #tpu.memory_space<vmem>> -> memref<1024xi32, #tpu.memory_space<vmem>>
    %dma_start3A_24 = arith.constant 0 : i32
    %dma_start3A_25 = tpu.memref_slice %arg3[%dma_start3A_24] : memref<1000000xf32, #tpu.memory_space<hbm>> -> memref<1000000xf32, #tpu.memory_space<hbm>>
    tpu.enqueue_indirect_dma source(%dma_start3A_25 : memref<1000000xf32, #tpu.memory_space<hbm>>) target(%dma_start3A_21 : memref<1024xf32, #tpu.memory_space<vmem>>) offsets(%dma_start3A_23 : memref<1024xi32, #tpu.memory_space<vmem>>) semaphore(%arg11 : memref<!tpu.dma_semaphore, #tpu.memory_space<semaphore_mem>>)
    %dma_start3A_26 = arith.constant 4096 : i32
    %dma_start3A_27 = tpu.memref_slice %arg6[%dma_start3A_26] : memref<5120xf32, #tpu.memory_space<vmem>> -> memref<1024xf32, #tpu.memory_space<vmem>>
    %dma_start3A_28 = arith.constant 4096 : i32
    %dma_start3A_29 = tpu.memref_slice %arg5[%dma_start3A_28] : memref<10240xi32, #tpu.memory_space<vmem>> -> memref<1024xi32, #tpu.memory_space<vmem>>
    %dma_start3A_30 = arith.constant 0 : i32
    %dma_start3A_31 = tpu.memref_slice %arg3[%dma_start3A_30] : memref<1000000xf32, #tpu.memory_space<hbm>> -> memref<1000000xf32, #tpu.memory_space<hbm>>
    tpu.enqueue_indirect_dma source(%dma_start3A_31 : memref<1000000xf32, #tpu.memory_space<hbm>>) target(%dma_start3A_27 : memref<1024xf32, #tpu.memory_space<vmem>>) offsets(%dma_start3A_29 : memref<1024xi32, #tpu.memory_space<vmem>>) semaphore(%arg12 : memref<!tpu.dma_semaphore, #tpu.memory_space<semaphore_mem>>)
    %broadcast_in_dim3A = arith.constant 0.000000e+00 : f32
    %broadcast_in_dim3A_32 = vector.broadcast %broadcast_in_dim3A : f32 to vector<16xf32>
    %broadcast_in_dim3A_33 = arith.constant 0.000000e+00 : f32
    %broadcast_in_dim3A_34 = vector.broadcast %broadcast_in_dim3A_33 : f32 to vector<16xf32>
    %broadcast_in_dim3A_35 = arith.constant 0.000000e+00 : f32
    %broadcast_in_dim3A_36 = vector.broadcast %broadcast_in_dim3A_35 : f32 to vector<16xf32>
    %broadcast_in_dim3A_37 = arith.constant 0.000000e+00 : f32
    %broadcast_in_dim3A_38 = vector.broadcast %broadcast_in_dim3A_37 : f32 to vector<16xf32>
    %scan3A = arith.constant 0 : i32
    %scan3A_39 = arith.constant 2 : i32
    %scan3A_40 = arith.addi %scan3A, %scan3A_39 : i32
    %scan3A_41 = arith.constant 1 : i32
    %scan3A_42:4 = scf.for %scan3A_50 = %scan3A to %scan3A_40 step %scan3A_41 iter_args(%scan3A_51 = %broadcast_in_dim3A_32, %scan3A_52 = %broadcast_in_dim3A_34, %scan3A_53 = %broadcast_in_dim3A_36, %scan3A_54 = %broadcast_in_dim3A_38) -> (vector<16xf32>, vector<16xf32>, vector<16xf32>, vector<16xf32>)  : i32 {
      %mul3A_55 = arith.constant 5 : i32
      %mul3A_56 = arith.muli %scan3A_50, %mul3A_55 : i32
      %add3A_57 = arith.constant 0 : i32
      %add3A_58 = arith.addi %mul3A_56, %add3A_57 : i32
      %dma_wait3A = arith.constant 0 : i32
      %dma_wait3A_59 = tpu.memref_slice %arg6[%dma_wait3A] : memref<5120xf32, #tpu.memory_space<vmem>> -> memref<1024xf32, #tpu.memory_space<vmem>>
      %dma_wait3A_60 = arith.constant 0 : i32
      %dma_wait3A_61 = tpu.memref_slice %arg5[%dma_wait3A_60] : memref<10240xi32, #tpu.memory_space<vmem>> -> memref<1024xi32, #tpu.memory_space<vmem>>
      %dma_wait3A_62 = arith.constant 0 : i32
      %dma_wait3A_63 = tpu.memref_slice %arg3[%dma_wait3A_62] : memref<1000000xf32, #tpu.memory_space<hbm>> -> memref<1000000xf32, #tpu.memory_space<hbm>>
      tpu.wait_indirect_dma semaphore(%arg8 : memref<!tpu.dma_semaphore, #tpu.memory_space<semaphore_mem>>) src(%dma_wait3A_63 : memref<1000000xf32, #tpu.memory_space<hbm>>) dst(%dma_wait3A_59 : memref<1024xf32, #tpu.memory_space<vmem>>)
      %scan3A_64 = arith.constant 0 : i32
      %scan3A_65 = arith.constant 16 : i32
      %scan3A_66 = arith.addi %scan3A_64, %scan3A_65 : i32
      %scan3A_67 = arith.constant 1 : i32
      %scan3A_68:4 = scf.for %scan3A_186 = %scan3A_64 to %scan3A_66 step %scan3A_67 iter_args(%scan3A_187 = %scan3A_51, %scan3A_188 = %scan3A_52, %scan3A_189 = %scan3A_53, %scan3A_190 = %scan3A_54) -> (vector<16xf32>, vector<16xf32>, vector<16xf32>, vector<16xf32>)  : i32 {
        %mul3A_191 = arith.constant 4 : i32
        %mul3A_192 = arith.muli %scan3A_186, %mul3A_191 : i32
        %mul3A_193 = arith.constant 16 : i32
        %mul3A_194 = arith.muli %mul3A_192, %mul3A_193 : i32
        %add3A_195 = arith.constant 0 : i32
        %add3A_196 = arith.addi %add3A_195, %mul3A_194 : i32
        %add3A_197 = arith.constant 0 : i32
        %add3A_198 = arith.addi %add3A_196, %add3A_197 : i32
        %get3A = arith.index_cast %add3A_198 : i32 to index
        %get3A_199 = tpu.vector_load %arg6[%get3A] {strides = array<i32>} : memref<5120xf32, #tpu.memory_space<vmem>>, vector<16xf32>,
        %get3A_200 = vector.shape_cast %get3A_199 : vector<16xf32> to vector<16xf32>
        %add3A_201 = arith.addf %scan3A_187, %get3A_200 : vector<16xf32>
        %add3A_202 = arith.constant 16 : i32
        %add3A_203 = arith.addi %add3A_196, %add3A_202 : i32
        %get3A_204 = arith.index_cast %add3A_203 : i32 to index
        %get3A_205 = tpu.vector_load %arg6[%get3A_204] {strides = array<i32>} : memref<5120xf32, #tpu.memory_space<vmem>>, vector<16xf32>,
        %get3A_206 = vector.shape_cast %get3A_205 : vector<16xf32> to vector<16xf32>
        %add3A_207 = arith.addf %scan3A_188, %get3A_206 : vector<16xf32>
        %add3A_208 = arith.constant 32 : i32
        %add3A_209 = arith.addi %add3A_196, %add3A_208 : i32
        %get3A_210 = arith.index_cast %add3A_209 : i32 to index
        %get3A_211 = tpu.vector_load %arg6[%get3A_210] {strides = array<i32>} : memref<5120xf32, #tpu.memory_space<vmem>>, vector<16xf32>,
        %get3A_212 = vector.shape_cast %get3A_211 : vector<16xf32> to vector<16xf32>
        %add3A_213 = arith.addf %scan3A_189, %get3A_212 : vector<16xf32>
        %add3A_214 = arith.constant 48 : i32
        %add3A_215 = arith.addi %add3A_196, %add3A_214 : i32
        %get3A_216 = arith.index_cast %add3A_215 : i32 to index
        %get3A_217 = tpu.vector_load %arg6[%get3A_216] {strides = array<i32>} : memref<5120xf32, #tpu.memory_space<vmem>>, vector<16xf32>,
        %get3A_218 = vector.shape_cast %get3A_217 : vector<16xf32> to vector<16xf32>
        %add3A_219 = arith.addf %scan3A_190, %get3A_218 : vector<16xf32>
        scf.yield %add3A_201, %add3A_207, %add3A_213, %add3A_219 : vector<16xf32>, vector<16xf32>, vector<16xf32>, vector<16xf32>
      }
      %scan3A_69 = arith.constant 16 : i32
      %add3A_70 = arith.constant 5 : i32
      %add3A_71 = arith.addi %add3A_58, %add3A_70 : i32
      %lt3A = arith.constant 10 : i32
      %lt3A_72 = arith.cmpi slt, %add3A_71, %lt3A : i32
      %add3A_73 = arith.constant 5 : i32
      %add3A_74 = arith.addi %add3A_58, %add3A_73 : i32
      %mul3A_75 = arith.constant 1024 : i32
      %mul3A_76 = arith.muli %add3A_74, %mul3A_75 : i32
      %convert_element_type3A = arith.extui %lt3A_72 : i1 to i32
      %cond3A = arith.constant 0 : i32
      %cond3A_77 = arith.cmpi ne, %convert_element_type3A, %cond3A : i32
      scf.if %cond3A_77 {
        %dma_start3A_186 = arith.constant 0 : i32
        %dma_start3A_187 = tpu.memref_slice %arg6[%dma_start3A_186] : memref<5120xf32, #tpu.memory_space<vmem>> -> memref<1024xf32, #tpu.memory_space<vmem>>
        %dma_start3A_188 = tpu.memref_slice %arg5[%mul3A_76] : memref<10240xi32, #tpu.memory_space<vmem>> -> memref<1024xi32, #tpu.memory_space<vmem>>
        %dma_start3A_189 = arith.constant 0 : i32
        %dma_start3A_190 = tpu.memref_slice %arg3[%dma_start3A_189] : memref<1000000xf32, #tpu.memory_space<hbm>> -> memref<1000000xf32, #tpu.memory_space<hbm>>
        tpu.enqueue_indirect_dma source(%dma_start3A_190 : memref<1000000xf32, #tpu.memory_space<hbm>>) target(%dma_start3A_187 : memref<1024xf32, #tpu.memory_space<vmem>>) offsets(%dma_start3A_188 : memref<1024xi32, #tpu.memory_space<vmem>>) semaphore(%arg8 : memref<!tpu.dma_semaphore, #tpu.memory_space<semaphore_mem>>)
      } else {
      }
      %mul3A_78 = arith.constant 5 : i32
      %mul3A_79 = arith.muli %scan3A_50, %mul3A_78 : i32
      %add3A_80 = arith.constant 1 : i32
      %add3A_81 = arith.addi %mul3A_79, %add3A_80 : i32
      %dma_wait3A_82 = arith.constant 1024 : i32
      %dma_wait3A_83 = tpu.memref_slice %arg6[%dma_wait3A_82] : memref<5120xf32, #tpu.memory_space<vmem>> -> memref<1024xf32, #tpu.memory_space<vmem>>
      %dma_wait3A_84 = arith.constant 0 : i32
      %dma_wait3A_85 = tpu.memref_slice %arg5[%dma_wait3A_84] : memref<10240xi32, #tpu.memory_space<vmem>> -> memref<1024xi32, #tpu.memory_space<vmem>>
      %dma_wait3A_86 = arith.constant 0 : i32
      %dma_wait3A_87 = tpu.memref_slice %arg3[%dma_wait3A_86] : memref<1000000xf32, #tpu.memory_space<hbm>> -> memref<1000000xf32, #tpu.memory_space<hbm>>
      tpu.wait_indirect_dma semaphore(%arg9 : memref<!tpu.dma_semaphore, #tpu.memory_space<semaphore_mem>>) src(%dma_wait3A_87 : memref<1000000xf32, #tpu.memory_space<hbm>>) dst(%dma_wait3A_83 : memref<1024xf32, #tpu.memory_space<vmem>>)
      %scan3A_88 = arith.constant 0 : i32
      %scan3A_89 = arith.constant 16 : i32
      %scan3A_90 = arith.addi %scan3A_88, %scan3A_89 : i32
      %scan3A_91 = arith.constant 1 : i32
      %scan3A_92:4 = scf.for %scan3A_186 = %scan3A_88 to %scan3A_90 step %scan3A_91 iter_args(%scan3A_187 = %scan3A_68#0, %scan3A_188 = %scan3A_68#1, %scan3A_189 = %scan3A_68#2, %scan3A_190 = %scan3A_68#3) -> (vector<16xf32>, vector<16xf32>, vector<16xf32>, vector<16xf32>)  : i32 {
        %mul3A_191 = arith.constant 4 : i32
        %mul3A_192 = arith.muli %scan3A_186, %mul3A_191 : i32
        %mul3A_193 = arith.constant 16 : i32
        %mul3A_194 = arith.muli %mul3A_192, %mul3A_193 : i32
        %add3A_195 = arith.constant 1024 : i32
        %add3A_196 = arith.addi %add3A_195, %mul3A_194 : i32
        %add3A_197 = arith.constant 0 : i32
        %add3A_198 = arith.addi %add3A_196, %add3A_197 : i32
        %get3A = arith.index_cast %add3A_198 : i32 to index
        %get3A_199 = tpu.vector_load %arg6[%get3A] {strides = array<i32>} : memref<5120xf32, #tpu.memory_space<vmem>>, vector<16xf32>,
        %get3A_200 = vector.shape_cast %get3A_199 : vector<16xf32> to vector<16xf32>
        %add3A_201 = arith.addf %scan3A_187, %get3A_200 : vector<16xf32>
        %add3A_202 = arith.constant 16 : i32
        %add3A_203 = arith.addi %add3A_196, %add3A_202 : i32
        %get3A_204 = arith.index_cast %add3A_203 : i32 to index
        %get3A_205 = tpu.vector_load %arg6[%get3A_204] {strides = array<i32>} : memref<5120xf32, #tpu.memory_space<vmem>>, vector<16xf32>,
        %get3A_206 = vector.shape_cast %get3A_205 : vector<16xf32> to vector<16xf32>
        %add3A_207 = arith.addf %scan3A_188, %get3A_206 : vector<16xf32>
        %add3A_208 = arith.constant 32 : i32
        %add3A_209 = arith.addi %add3A_196, %add3A_208 : i32
        %get3A_210 = arith.index_cast %add3A_209 : i32 to index
        %get3A_211 = tpu.vector_load %arg6[%get3A_210] {strides = array<i32>} : memref<5120xf32, #tpu.memory_space<vmem>>, vector<16xf32>,
        %get3A_212 = vector.shape_cast %get3A_211 : vector<16xf32> to vector<16xf32>
        %add3A_213 = arith.addf %scan3A_189, %get3A_212 : vector<16xf32>
        %add3A_214 = arith.constant 48 : i32
        %add3A_215 = arith.addi %add3A_196, %add3A_214 : i32
        %get3A_216 = arith.index_cast %add3A_215 : i32 to index
        %get3A_217 = tpu.vector_load %arg6[%get3A_216] {strides = array<i32>} : memref<5120xf32, #tpu.memory_space<vmem>>, vector<16xf32>,
        %get3A_218 = vector.shape_cast %get3A_217 : vector<16xf32> to vector<16xf32>
        %add3A_219 = arith.addf %scan3A_190, %get3A_218 : vector<16xf32>
        scf.yield %add3A_201, %add3A_207, %add3A_213, %add3A_219 : vector<16xf32>, vector<16xf32>, vector<16xf32>, vector<16xf32>
      }
      %scan3A_93 = arith.constant 16 : i32
      %add3A_94 = arith.constant 5 : i32
      %add3A_95 = arith.addi %add3A_81, %add3A_94 : i32
      %lt3A_96 = arith.constant 10 : i32
      %lt3A_97 = arith.cmpi slt, %add3A_95, %lt3A_96 : i32
      %add3A_98 = arith.constant 5 : i32
      %add3A_99 = arith.addi %add3A_81, %add3A_98 : i32
      %mul3A_100 = arith.constant 1024 : i32
      %mul3A_101 = arith.muli %add3A_99, %mul3A_100 : i32
      %convert_element_type3A_102 = arith.extui %lt3A_97 : i1 to i32
      %cond3A_103 = arith.constant 0 : i32
      %cond3A_104 = arith.cmpi ne, %convert_element_type3A_102, %cond3A_103 : i32
      scf.if %cond3A_104 {
        %dma_start3A_186 = arith.constant 1024 : i32
        %dma_start3A_187 = tpu.memref_slice %arg6[%dma_start3A_186] : memref<5120xf32, #tpu.memory_space<vmem>> -> memref<1024xf32, #tpu.memory_space<vmem>>
        %dma_start3A_188 = tpu.memref_slice %arg5[%mul3A_101] : memref<10240xi32, #tpu.memory_space<vmem>> -> memref<1024xi32, #tpu.memory_space<vmem>>
        %dma_start3A_189 = arith.constant 0 : i32
        %dma_start3A_190 = tpu.memref_slice %arg3[%dma_start3A_189] : memref<1000000xf32, #tpu.memory_space<hbm>> -> memref<1000000xf32, #tpu.memory_space<hbm>>
        tpu.enqueue_indirect_dma source(%dma_start3A_190 : memref<1000000xf32, #tpu.memory_space<hbm>>) target(%dma_start3A_187 : memref<1024xf32, #tpu.memory_space<vmem>>) offsets(%dma_start3A_188 : memref<1024xi32, #tpu.memory_space<vmem>>) semaphore(%arg9 : memref<!tpu.dma_semaphore, #tpu.memory_space<semaphore_mem>>)
      } else {
      }
      %mul3A_105 = arith.constant 5 : i32
      %mul3A_106 = arith.muli %scan3A_50, %mul3A_105 : i32
      %add3A_107 = arith.constant 2 : i32
      %add3A_108 = arith.addi %mul3A_106, %add3A_107 : i32
      %dma_wait3A_109 = arith.constant 2048 : i32
      %dma_wait3A_110 = tpu.memref_slice %arg6[%dma_wait3A_109] : memref<5120xf32, #tpu.memory_space<vmem>> -> memref<1024xf32, #tpu.memory_space<vmem>>
      %dma_wait3A_111 = arith.constant 0 : i32
      %dma_wait3A_112 = tpu.memref_slice %arg5[%dma_wait3A_111] : memref<10240xi32, #tpu.memory_space<vmem>> -> memref<1024xi32, #tpu.memory_space<vmem>>
      %dma_wait3A_113 = arith.constant 0 : i32
      %dma_wait3A_114 = tpu.memref_slice %arg3[%dma_wait3A_113] : memref<1000000xf32, #tpu.memory_space<hbm>> -> memref<1000000xf32, #tpu.memory_space<hbm>>
      tpu.wait_indirect_dma semaphore(%arg10 : memref<!tpu.dma_semaphore, #tpu.memory_space<semaphore_mem>>) src(%dma_wait3A_114 : memref<1000000xf32, #tpu.memory_space<hbm>>) dst(%dma_wait3A_110 : memref<1024xf32, #tpu.memory_space<vmem>>)
      %scan3A_115 = arith.constant 0 : i32
      %scan3A_116 = arith.constant 16 : i32
      %scan3A_117 = arith.addi %scan3A_115, %scan3A_116 : i32
      %scan3A_118 = arith.constant 1 : i32
      %scan3A_119:4 = scf.for %scan3A_186 = %scan3A_115 to %scan3A_117 step %scan3A_118 iter_args(%scan3A_187 = %scan3A_92#0, %scan3A_188 = %scan3A_92#1, %scan3A_189 = %scan3A_92#2, %scan3A_190 = %scan3A_92#3) -> (vector<16xf32>, vector<16xf32>, vector<16xf32>, vector<16xf32>)  : i32 {
        %mul3A_191 = arith.constant 4 : i32
        %mul3A_192 = arith.muli %scan3A_186, %mul3A_191 : i32
        %mul3A_193 = arith.constant 16 : i32
        %mul3A_194 = arith.muli %mul3A_192, %mul3A_193 : i32
        %add3A_195 = arith.constant 2048 : i32
        %add3A_196 = arith.addi %add3A_195, %mul3A_194 : i32
        %add3A_197 = arith.constant 0 : i32
        %add3A_198 = arith.addi %add3A_196, %add3A_197 : i32
        %get3A = arith.index_cast %add3A_198 : i32 to index
        %get3A_199 = tpu.vector_load %arg6[%get3A] {strides = array<i32>} : memref<5120xf32, #tpu.memory_space<vmem>>, vector<16xf32>,
        %get3A_200 = vector.shape_cast %get3A_199 : vector<16xf32> to vector<16xf32>
        %add3A_201 = arith.addf %scan3A_187, %get3A_200 : vector<16xf32>
        %add3A_202 = arith.constant 16 : i32
        %add3A_203 = arith.addi %add3A_196, %add3A_202 : i32
        %get3A_204 = arith.index_cast %add3A_203 : i32 to index
        %get3A_205 = tpu.vector_load %arg6[%get3A_204] {strides = array<i32>} : memref<5120xf32, #tpu.memory_space<vmem>>, vector<16xf32>,
        %get3A_206 = vector.shape_cast %get3A_205 : vector<16xf32> to vector<16xf32>
        %add3A_207 = arith.addf %scan3A_188, %get3A_206 : vector<16xf32>
        %add3A_208 = arith.constant 32 : i32
        %add3A_209 = arith.addi %add3A_196, %add3A_208 : i32
        %get3A_210 = arith.index_cast %add3A_209 : i32 to index
        %get3A_211 = tpu.vector_load %arg6[%get3A_210] {strides = array<i32>} : memref<5120xf32, #tpu.memory_space<vmem>>, vector<16xf32>,
        %get3A_212 = vector.shape_cast %get3A_211 : vector<16xf32> to vector<16xf32>
        %add3A_213 = arith.addf %scan3A_189, %get3A_212 : vector<16xf32>
        %add3A_214 = arith.constant 48 : i32
        %add3A_215 = arith.addi %add3A_196, %add3A_214 : i32
        %get3A_216 = arith.index_cast %add3A_215 : i32 to index
        %get3A_217 = tpu.vector_load %arg6[%get3A_216] {strides = array<i32>} : memref<5120xf32, #tpu.memory_space<vmem>>, vector<16xf32>,
        %get3A_218 = vector.shape_cast %get3A_217 : vector<16xf32> to vector<16xf32>
        %add3A_219 = arith.addf %scan3A_190, %get3A_218 : vector<16xf32>
        scf.yield %add3A_201, %add3A_207, %add3A_213, %add3A_219 : vector<16xf32>, vector<16xf32>, vector<16xf32>, vector<16xf32>
      }
      %scan3A_120 = arith.constant 16 : i32
      %add3A_121 = arith.constant 5 : i32
      %add3A_122 = arith.addi %add3A_108, %add3A_121 : i32
      %lt3A_123 = arith.constant 10 : i32
      %lt3A_124 = arith.cmpi slt, %add3A_122, %lt3A_123 : i32
      %add3A_125 = arith.constant 5 : i32
      %add3A_126 = arith.addi %add3A_108, %add3A_125 : i32
      %mul3A_127 = arith.constant 1024 : i32
      %mul3A_128 = arith.muli %add3A_126, %mul3A_127 : i32
      %convert_element_type3A_129 = arith.extui %lt3A_124 : i1 to i32
      %cond3A_130 = arith.constant 0 : i32
      %cond3A_131 = arith.cmpi ne, %convert_element_type3A_129, %cond3A_130 : i32
      scf.if %cond3A_131 {
        %dma_start3A_186 = arith.constant 2048 : i32
        %dma_start3A_187 = tpu.memref_slice %arg6[%dma_start3A_186] : memref<5120xf32, #tpu.memory_space<vmem>> -> memref<1024xf32, #tpu.memory_space<vmem>>
        %dma_start3A_188 = tpu.memref_slice %arg5[%mul3A_128] : memref<10240xi32, #tpu.memory_space<vmem>> -> memref<1024xi32, #tpu.memory_space<vmem>>
        %dma_start3A_189 = arith.constant 0 : i32
        %dma_start3A_190 = tpu.memref_slice %arg3[%dma_start3A_189] : memref<1000000xf32, #tpu.memory_space<hbm>> -> memref<1000000xf32, #tpu.memory_space<hbm>>
        tpu.enqueue_indirect_dma source(%dma_start3A_190 : memref<1000000xf32, #tpu.memory_space<hbm>>) target(%dma_start3A_187 : memref<1024xf32, #tpu.memory_space<vmem>>) offsets(%dma_start3A_188 : memref<1024xi32, #tpu.memory_space<vmem>>) semaphore(%arg10 : memref<!tpu.dma_semaphore, #tpu.memory_space<semaphore_mem>>)
      } else {
      }
      %mul3A_132 = arith.constant 5 : i32
      %mul3A_133 = arith.muli %scan3A_50, %mul3A_132 : i32
      %add3A_134 = arith.constant 3 : i32
      %add3A_135 = arith.addi %mul3A_133, %add3A_134 : i32
      %dma_wait3A_136 = arith.constant 3072 : i32
      %dma_wait3A_137 = tpu.memref_slice %arg6[%dma_wait3A_136] : memref<5120xf32, #tpu.memory_space<vmem>> -> memref<1024xf32, #tpu.memory_space<vmem>>
      %dma_wait3A_138 = arith.constant 0 : i32
      %dma_wait3A_139 = tpu.memref_slice %arg5[%dma_wait3A_138] : memref<10240xi32, #tpu.memory_space<vmem>> -> memref<1024xi32, #tpu.memory_space<vmem>>
      %dma_wait3A_140 = arith.constant 0 : i32
      %dma_wait3A_141 = tpu.memref_slice %arg3[%dma_wait3A_140] : memref<1000000xf32, #tpu.memory_space<hbm>> -> memref<1000000xf32, #tpu.memory_space<hbm>>
      tpu.wait_indirect_dma semaphore(%arg11 : memref<!tpu.dma_semaphore, #tpu.memory_space<semaphore_mem>>) src(%dma_wait3A_141 : memref<1000000xf32, #tpu.memory_space<hbm>>) dst(%dma_wait3A_137 : memref<1024xf32, #tpu.memory_space<vmem>>)
      %scan3A_142 = arith.constant 0 : i32
      %scan3A_143 = arith.constant 16 : i32
      %scan3A_144 = arith.addi %scan3A_142, %scan3A_143 : i32
      %scan3A_145 = arith.constant 1 : i32
      %scan3A_146:4 = scf.for %scan3A_186 = %scan3A_142 to %scan3A_144 step %scan3A_145 iter_args(%scan3A_187 = %scan3A_119#0, %scan3A_188 = %scan3A_119#1, %scan3A_189 = %scan3A_119#2, %scan3A_190 = %scan3A_119#3) -> (vector<16xf32>, vector<16xf32>, vector<16xf32>, vector<16xf32>)  : i32 {
        %mul3A_191 = arith.constant 4 : i32
        %mul3A_192 = arith.muli %scan3A_186, %mul3A_191 : i32
        %mul3A_193 = arith.constant 16 : i32
        %mul3A_194 = arith.muli %mul3A_192, %mul3A_193 : i32
        %add3A_195 = arith.constant 3072 : i32
        %add3A_196 = arith.addi %add3A_195, %mul3A_194 : i32
        %add3A_197 = arith.constant 0 : i32
        %add3A_198 = arith.addi %add3A_196, %add3A_197 : i32
        %get3A = arith.index_cast %add3A_198 : i32 to index
        %get3A_199 = tpu.vector_load %arg6[%get3A] {strides = array<i32>} : memref<5120xf32, #tpu.memory_space<vmem>>, vector<16xf32>,
        %get3A_200 = vector.shape_cast %get3A_199 : vector<16xf32> to vector<16xf32>
        %add3A_201 = arith.addf %scan3A_187, %get3A_200 : vector<16xf32>
        %add3A_202 = arith.constant 16 : i32
        %add3A_203 = arith.addi %add3A_196, %add3A_202 : i32
        %get3A_204 = arith.index_cast %add3A_203 : i32 to index
        %get3A_205 = tpu.vector_load %arg6[%get3A_204] {strides = array<i32>} : memref<5120xf32, #tpu.memory_space<vmem>>, vector<16xf32>,
        %get3A_206 = vector.shape_cast %get3A_205 : vector<16xf32> to vector<16xf32>
        %add3A_207 = arith.addf %scan3A_188, %get3A_206 : vector<16xf32>
        %add3A_208 = arith.constant 32 : i32
        %add3A_209 = arith.addi %add3A_196, %add3A_208 : i32
        %get3A_210 = arith.index_cast %add3A_209 : i32 to index
        %get3A_211 = tpu.vector_load %arg6[%get3A_210] {strides = array<i32>} : memref<5120xf32, #tpu.memory_space<vmem>>, vector<16xf32>,
        %get3A_212 = vector.shape_cast %get3A_211 : vector<16xf32> to vector<16xf32>
        %add3A_213 = arith.addf %scan3A_189, %get3A_212 : vector<16xf32>
        %add3A_214 = arith.constant 48 : i32
        %add3A_215 = arith.addi %add3A_196, %add3A_214 : i32
        %get3A_216 = arith.index_cast %add3A_215 : i32 to index
        %get3A_217 = tpu.vector_load %arg6[%get3A_216] {strides = array<i32>} : memref<5120xf32, #tpu.memory_space<vmem>>, vector<16xf32>,
        %get3A_218 = vector.shape_cast %get3A_217 : vector<16xf32> to vector<16xf32>
        %add3A_219 = arith.addf %scan3A_190, %get3A_218 : vector<16xf32>
        scf.yield %add3A_201, %add3A_207, %add3A_213, %add3A_219 : vector<16xf32>, vector<16xf32>, vector<16xf32>, vector<16xf32>
      }
      %scan3A_147 = arith.constant 16 : i32
      %add3A_148 = arith.constant 5 : i32
      %add3A_149 = arith.addi %add3A_135, %add3A_148 : i32
      %lt3A_150 = arith.constant 10 : i32
      %lt3A_151 = arith.cmpi slt, %add3A_149, %lt3A_150 : i32
      %add3A_152 = arith.constant 5 : i32
      %add3A_153 = arith.addi %add3A_135, %add3A_152 : i32
      %mul3A_154 = arith.constant 1024 : i32
      %mul3A_155 = arith.muli %add3A_153, %mul3A_154 : i32
      %convert_element_type3A_156 = arith.extui %lt3A_151 : i1 to i32
      %cond3A_157 = arith.constant 0 : i32
      %cond3A_158 = arith.cmpi ne, %convert_element_type3A_156, %cond3A_157 : i32
      scf.if %cond3A_158 {
        %dma_start3A_186 = arith.constant 3072 : i32
        %dma_start3A_187 = tpu.memref_slice %arg6[%dma_start3A_186] : memref<5120xf32, #tpu.memory_space<vmem>> -> memref<1024xf32, #tpu.memory_space<vmem>>
        %dma_start3A_188 = tpu.memref_slice %arg5[%mul3A_155] : memref<10240xi32, #tpu.memory_space<vmem>> -> memref<1024xi32, #tpu.memory_space<vmem>>
        %dma_start3A_189 = arith.constant 0 : i32
        %dma_start3A_190 = tpu.memref_slice %arg3[%dma_start3A_189] : memref<1000000xf32, #tpu.memory_space<hbm>> -> memref<1000000xf32, #tpu.memory_space<hbm>>
        tpu.enqueue_indirect_dma source(%dma_start3A_190 : memref<1000000xf32, #tpu.memory_space<hbm>>) target(%dma_start3A_187 : memref<1024xf32, #tpu.memory_space<vmem>>) offsets(%dma_start3A_188 : memref<1024xi32, #tpu.memory_space<vmem>>) semaphore(%arg11 : memref<!tpu.dma_semaphore, #tpu.memory_space<semaphore_mem>>)
      } else {
      }
      %mul3A_159 = arith.constant 5 : i32
      %mul3A_160 = arith.muli %scan3A_50, %mul3A_159 : i32
      %add3A_161 = arith.constant 4 : i32
      %add3A_162 = arith.addi %mul3A_160, %add3A_161 : i32
      %dma_wait3A_163 = arith.constant 4096 : i32
      %dma_wait3A_164 = tpu.memref_slice %arg6[%dma_wait3A_163] : memref<5120xf32, #tpu.memory_space<vmem>> -> memref<1024xf32, #tpu.memory_space<vmem>>
      %dma_wait3A_165 = arith.constant 0 : i32
      %dma_wait3A_166 = tpu.memref_slice %arg5[%dma_wait3A_165] : memref<10240xi32, #tpu.memory_space<vmem>> -> memref<1024xi32, #tpu.memory_space<vmem>>
      %dma_wait3A_167 = arith.constant 0 : i32
      %dma_wait3A_168 = tpu.memref_slice %arg3[%dma_wait3A_167] : memref<1000000xf32, #tpu.memory_space<hbm>> -> memref<1000000xf32, #tpu.memory_space<hbm>>
      tpu.wait_indirect_dma semaphore(%arg12 : memref<!tpu.dma_semaphore, #tpu.memory_space<semaphore_mem>>) src(%dma_wait3A_168 : memref<1000000xf32, #tpu.memory_space<hbm>>) dst(%dma_wait3A_164 : memref<1024xf32, #tpu.memory_space<vmem>>)
      %scan3A_169 = arith.constant 0 : i32
      %scan3A_170 = arith.constant 16 : i32
      %scan3A_171 = arith.addi %scan3A_169, %scan3A_170 : i32
      %scan3A_172 = arith.constant 1 : i32
      %scan3A_173:4 = scf.for %scan3A_186 = %scan3A_169 to %scan3A_171 step %scan3A_172 iter_args(%scan3A_187 = %scan3A_146#0, %scan3A_188 = %scan3A_146#1, %scan3A_189 = %scan3A_146#2, %scan3A_190 = %scan3A_146#3) -> (vector<16xf32>, vector<16xf32>, vector<16xf32>, vector<16xf32>)  : i32 {
        %mul3A_191 = arith.constant 4 : i32
        %mul3A_192 = arith.muli %scan3A_186, %mul3A_191 : i32
        %mul3A_193 = arith.constant 16 : i32
        %mul3A_194 = arith.muli %mul3A_192, %mul3A_193 : i32
        %add3A_195 = arith.constant 4096 : i32
        %add3A_196 = arith.addi %add3A_195, %mul3A_194 : i32
        %add3A_197 = arith.constant 0 : i32
        %add3A_198 = arith.addi %add3A_196, %add3A_197 : i32
        %get3A = arith.index_cast %add3A_198 : i32 to index
        %get3A_199 = tpu.vector_load %arg6[%get3A] {strides = array<i32>} : memref<5120xf32, #tpu.memory_space<vmem>>, vector<16xf32>,
        %get3A_200 = vector.shape_cast %get3A_199 : vector<16xf32> to vector<16xf32>
        %add3A_201 = arith.addf %scan3A_187, %get3A_200 : vector<16xf32>
        %add3A_202 = arith.constant 16 : i32
        %add3A_203 = arith.addi %add3A_196, %add3A_202 : i32
        %get3A_204 = arith.index_cast %add3A_203 : i32 to index
        %get3A_205 = tpu.vector_load %arg6[%get3A_204] {strides = array<i32>} : memref<5120xf32, #tpu.memory_space<vmem>>, vector<16xf32>,
        %get3A_206 = vector.shape_cast %get3A_205 : vector<16xf32> to vector<16xf32>
        %add3A_207 = arith.addf %scan3A_188, %get3A_206 : vector<16xf32>
        %add3A_208 = arith.constant 32 : i32
        %add3A_209 = arith.addi %add3A_196, %add3A_208 : i32
        %get3A_210 = arith.index_cast %add3A_209 : i32 to index
        %get3A_211 = tpu.vector_load %arg6[%get3A_210] {strides = array<i32>} : memref<5120xf32, #tpu.memory_space<vmem>>, vector<16xf32>,
        %get3A_212 = vector.shape_cast %get3A_211 : vector<16xf32> to vector<16xf32>
        %add3A_213 = arith.addf %scan3A_189, %get3A_212 : vector<16xf32>
        %add3A_214 = arith.constant 48 : i32
        %add3A_215 = arith.addi %add3A_196, %add3A_214 : i32
        %get3A_216 = arith.index_cast %add3A_215 : i32 to index
        %get3A_217 = tpu.vector_load %arg6[%get3A_216] {strides = array<i32>} : memref<5120xf32, #tpu.memory_space<vmem>>, vector<16xf32>,
        %get3A_218 = vector.shape_cast %get3A_217 : vector<16xf32> to vector<16xf32>
        %add3A_219 = arith.addf %scan3A_190, %get3A_218 : vector<16xf32>
        scf.yield %add3A_201, %add3A_207, %add3A_213, %add3A_219 : vector<16xf32>, vector<16xf32>, vector<16xf32>, vector<16xf32>
      }
      %scan3A_174 = arith.constant 16 : i32
      %add3A_175 = arith.constant 5 : i32
      %add3A_176 = arith.addi %add3A_162, %add3A_175 : i32
      %lt3A_177 = arith.constant 10 : i32
      %lt3A_178 = arith.cmpi slt, %add3A_176, %lt3A_177 : i32
      %add3A_179 = arith.constant 5 : i32
      %add3A_180 = arith.addi %add3A_162, %add3A_179 : i32
      %mul3A_181 = arith.constant 1024 : i32
      %mul3A_182 = arith.muli %add3A_180, %mul3A_181 : i32
      %convert_element_type3A_183 = arith.extui %lt3A_178 : i1 to i32
      %cond3A_184 = arith.constant 0 : i32
      %cond3A_185 = arith.cmpi ne, %convert_element_type3A_183, %cond3A_184 : i32
      scf.if %cond3A_185 {
        %dma_start3A_186 = arith.constant 4096 : i32
        %dma_start3A_187 = tpu.memref_slice %arg6[%dma_start3A_186] : memref<5120xf32, #tpu.memory_space<vmem>> -> memref<1024xf32, #tpu.memory_space<vmem>>
        %dma_start3A_188 = tpu.memref_slice %arg5[%mul3A_182] : memref<10240xi32, #tpu.memory_space<vmem>> -> memref<1024xi32, #tpu.memory_space<vmem>>
        %dma_start3A_189 = arith.constant 0 : i32
        %dma_start3A_190 = tpu.memref_slice %arg3[%dma_start3A_189] : memref<1000000xf32, #tpu.memory_space<hbm>> -> memref<1000000xf32, #tpu.memory_space<hbm>>
        tpu.enqueue_indirect_dma source(%dma_start3A_190 : memref<1000000xf32, #tpu.memory_space<hbm>>) target(%dma_start3A_187 : memref<1024xf32, #tpu.memory_space<vmem>>) offsets(%dma_start3A_188 : memref<1024xi32, #tpu.memory_space<vmem>>) semaphore(%arg12 : memref<!tpu.dma_semaphore, #tpu.memory_space<semaphore_mem>>)
      } else {
      }
      scf.yield %scan3A_173#0, %scan3A_173#1, %scan3A_173#2, %scan3A_173#3 : vector<16xf32>, vector<16xf32>, vector<16xf32>, vector<16xf32>
    }
    %scan3A_43 = arith.constant 2 : i32
    %add3A_44 = arith.addf %scan3A_42#0, %scan3A_42#1 : vector<16xf32>
    %add3A_45 = arith.addf %scan3A_42#2, %scan3A_42#3 : vector<16xf32>
    %add3A_46 = arith.addf %add3A_44, %add3A_45 : vector<16xf32>
    %swap3A = arith.constant 0 : index
    %swap3A_47 = tpu.vector_load %arg7[%swap3A] {strides = array<i32>} : memref<16xf32, #tpu.memory_space<vmem>>, vector<16xf32>,
    %swap3A_48 = vector.shape_cast %swap3A_47 : vector<16xf32> to vector<16xf32>
    %swap3A_49 = vector.shape_cast %add3A_46 : vector<16xf32> to vector<16xf32>
    tpu.vector_store %arg7[%swap3A], %swap3A_49 {strides = array<i32>} : memref<16xf32, #tpu.memory_space<vmem>>, vector<16xf32>,
    "tpu.region"() ({
      %run_scoped3A = tpu.sem_alloc : memref<!tpu.dma_semaphore, #tpu.memory_space<semaphore_mem>>
      %dma_start3A_50 = arith.constant 0 : i32
      %dma_start3A_51 = tpu.memref_slice %arg4[%add3A, %dma_start3A_50] : memref<32x16xf32, #tpu.memory_space<hbm>> -> memref<1x16xf32, #tpu.memory_space<hbm>>
      %dma_start3A_52 = tpu.memref_squeeze %dma_start3A_51 : memref<1x16xf32, #tpu.memory_space<hbm>> -> memref<16xf32, #tpu.memory_space<hbm>>
      %dma_start3A_53 = arith.constant 0 : i32
      %dma_start3A_54 = tpu.memref_slice %arg4[%add3A, %dma_start3A_53] : memref<32x16xf32, #tpu.memory_space<hbm>> -> memref<1x16xf32, #tpu.memory_space<hbm>>
      %dma_start3A_55 = tpu.memref_squeeze %dma_start3A_54 : memref<1x16xf32, #tpu.memory_space<hbm>> -> memref<16xf32, #tpu.memory_space<hbm>>
      tpu.enqueue_dma source(%arg7 : memref<16xf32, #tpu.memory_space<vmem>>) target(%dma_start3A_55 : memref<16xf32, #tpu.memory_space<hbm>>) target_semaphore(%run_scoped3A : memref<!tpu.dma_semaphore, #tpu.memory_space<semaphore_mem>>)
      %dma_wait3A = arith.constant 0 : i32
      %dma_wait3A_56 = tpu.memref_slice %arg4[%add3A, %dma_wait3A] : memref<32x16xf32, #tpu.memory_space<hbm>> -> memref<1x16xf32, #tpu.memory_space<hbm>>
      %dma_wait3A_57 = tpu.memref_squeeze %dma_wait3A_56 : memref<1x16xf32, #tpu.memory_space<hbm>> -> memref<16xf32, #tpu.memory_space<hbm>>
      %dma_wait3A_58 = arith.constant 0 : i32
      %dma_wait3A_59 = tpu.memref_slice %arg4[%add3A, %dma_wait3A_58] : memref<32x16xf32, #tpu.memory_space<hbm>> -> memref<1x16xf32, #tpu.memory_space<hbm>>
      %dma_wait3A_60 = tpu.memref_squeeze %dma_wait3A_59 : memref<1x16xf32, #tpu.memory_space<hbm>> -> memref<16xf32, #tpu.memory_space<hbm>>
      tpu.wait_dma2 semaphore(%run_scoped3A : memref<!tpu.dma_semaphore, #tpu.memory_space<semaphore_mem>>) src(%arg7 : memref<16xf32, #tpu.memory_space<vmem>>) dst(%dma_wait3A_60 : memref<16xf32, #tpu.memory_space<hbm>>)
      tpu.yield
    }) : () -> ()
    return
  }
}

#map = affine_map<(d0, d1) -> (0)>
#map1 = affine_map<(d0, d1) -> (0, 0)>
module attributes {stable_mosaic.version = 14 : i64} {
  func.func @gather_kernel(%arg0: i32, %arg1: i32, %arg2: memref<327680xi32, #tpu.memory_space<hbm>>, %arg3: memref<1000000xf32, #tpu.memory_space<hbm>>, %arg4: memref<32x16xf32, #tpu.memory_space<hbm>>, %arg5: memref<10240xi32, #tpu.memory_space<vmem>>, %arg6: memref<5120xf32, #tpu.memory_space<vmem>>, %arg7: memref<16xf32, #tpu.memory_space<vmem>>, %arg8: memref<!tpu.dma_semaphore, #tpu.memory_space<semaphore_mem>>, %arg9: memref<!tpu.dma_semaphore, #tpu.memory_space<semaphore_mem>>, %arg10: memref<!tpu.dma_semaphore, #tpu.memory_space<semaphore_mem>>, %arg11: memref<!tpu.dma_semaphore, #tpu.memory_space<semaphore_mem>>, %arg12: memref<!tpu.dma_semaphore, #tpu.memory_space<semaphore_mem>>) attributes {dimension_semantics = [#tpu.dimension_semantics<core_parallel>, #tpu.dimension_semantics<subcore_parallel>], iteration_bounds = array<i64: 2, 16>, scalar_prefetch = 0 : i64, scratch_operands = 8 : i64, tpu.core_type = #tpu.core_type<sc_vector_subcore>, window_params = [{transform_indices = #map}, {transform_indices = #map}, {transform_indices = #map1}]} {
    %mul3A = arith.constant 2 : i32
    %mul3A_0 = arith.muli %arg1, %mul3A : i32
    %add3A = arith.addi %mul3A_0, %arg0 : i32
    %mul3A_1 = arith.constant 10240 : i32
    %mul3A_2 = arith.muli %add3A, %mul3A_1 : i32
    "tpu.region"() ({
      %run_scoped3A = tpu.sem_alloc : memref<!tpu.dma_semaphore, #tpu.memory_space<semaphore_mem>>
      %dma_start3A_50 = tpu.memref_slice %arg2[%mul3A_2] : memref<327680xi32, #tpu.memory_space<hbm>> -> memref<10240xi32, #tpu.memory_space<hbm>>
      %dma_start3A_51 = tpu.memref_slice %arg2[%mul3A_2] : memref<327680xi32, #tpu.memory_space<hbm>> -> memref<10240xi32, #tpu.memory_space<hbm>>
      tpu.enqueue_dma source(%dma_start3A_51 : memref<10240xi32, #tpu.memory_space<hbm>>) target(%arg5 : memref<10240xi32, #tpu.memory_space<vmem>>) target_semaphore(%run_scoped3A : memref<!tpu.dma_semaphore, #tpu.memory_space<semaphore_mem>>)
      %dma_wait3A = tpu.memref_slice %arg2[%mul3A_2] : memref<327680xi32, #tpu.memory_space<hbm>> -> memref<10240xi32, #tpu.memory_space<hbm>>
      %dma_wait3A_52 = tpu.memref_slice %arg2[%mul3A_2] : memref<327680xi32, #tpu.memory_space<hbm>> -> memref<10240xi32, #tpu.memory_space<hbm>>
      tpu.wait_dma2 semaphore(%run_scoped3A : memref<!tpu.dma_semaphore, #tpu.memory_space<semaphore_mem>>) src(%dma_wait3A_52 : memref<10240xi32, #tpu.memory_space<hbm>>) dst(%arg5 : memref<10240xi32, #tpu.memory_space<vmem>>)
      tpu.yield
    }) : () -> ()
    %dma_start3A = arith.constant 0 : i32
    %dma_start3A_3 = tpu.memref_slice %arg6[%dma_start3A] : memref<5120xf32, #tpu.memory_space<vmem>> -> memref<1024xf32, #tpu.memory_space<vmem>>
    %dma_start3A_4 = arith.constant 0 : i32
    %dma_start3A_5 = tpu.memref_slice %arg5[%dma_start3A_4] : memref<10240xi32, #tpu.memory_space<vmem>> -> memref<1024xi32, #tpu.memory_space<vmem>>
    %dma_start3A_6 = arith.constant 0 : i32
    %dma_start3A_7 = tpu.memref_slice %arg3[%dma_start3A_6] : memref<1000000xf32, #tpu.memory_space<hbm>> -> memref<1000000xf32, #tpu.memory_space<hbm>>
    tpu.enqueue_indirect_dma source(%dma_start3A_7 : memref<1000000xf32, #tpu.memory_space<hbm>>) target(%dma_start3A_3 : memref<1024xf32, #tpu.memory_space<vmem>>) offsets(%dma_start3A_5 : memref<1024xi32, #tpu.memory_space<vmem>>) semaphore(%arg8 : memref<!tpu.dma_semaphore, #tpu.memory_space<semaphore_mem>>)
    %dma_start3A_8 = arith.constant 1024 : i32
    %dma_start3A_9 = tpu.memref_slice %arg6[%dma_start3A_8] : memref<5120xf32, #tpu.memory_space<vmem>> -> memref<1024xf32, #tpu.memory_space<vmem>>
    %dma_start3A_10 = arith.constant 1024 : i32
    %dma_start3A_11 = tpu.memref_slice %arg5[%dma_start3A_10] : memref<10240xi32, #tpu.memory_space<vmem>> -> memref<1024xi32, #tpu.memory_space<vmem>>
    %dma_start3A_12 = arith.constant 0 : i32
    %dma_start3A_13 = tpu.memref_slice %arg3[%dma_start3A_12] : memref<1000000xf32, #tpu.memory_space<hbm>> -> memref<1000000xf32, #tpu.memory_space<hbm>>
    tpu.enqueue_indirect_dma source(%dma_start3A_13 : memref<1000000xf32, #tpu.memory_space<hbm>>) target(%dma_start3A_9 : memref<1024xf32, #tpu.memory_space<vmem>>) offsets(%dma_start3A_11 : memref<1024xi32, #tpu.memory_space<vmem>>) semaphore(%arg9 : memref<!tpu.dma_semaphore, #tpu.memory_space<semaphore_mem>>)
    %dma_start3A_14 = arith.constant 2048 : i32
    %dma_start3A_15 = tpu.memref_slice %arg6[%dma_start3A_14] : memref<5120xf32, #tpu.memory_space<vmem>> -> memref<1024xf32, #tpu.memory_space<vmem>>
    %dma_start3A_16 = arith.constant 2048 : i32
    %dma_start3A_17 = tpu.memref_slice %arg5[%dma_start3A_16] : memref<10240xi32, #tpu.memory_space<vmem>> -> memref<1024xi32, #tpu.memory_space<vmem>>
    %dma_start3A_18 = arith.constant 0 : i32
    %dma_start3A_19 = tpu.memref_slice %arg3[%dma_start3A_18] : memref<1000000xf32, #tpu.memory_space<hbm>> -> memref<1000000xf32, #tpu.memory_space<hbm>>
    tpu.enqueue_indirect_dma source(%dma_start3A_19 : memref<1000000xf32, #tpu.memory_space<hbm>>) target(%dma_start3A_15 : memref<1024xf32, #tpu.memory_space<vmem>>) offsets(%dma_start3A_17 : memref<1024xi32, #tpu.memory_space<vmem>>) semaphore(%arg10 : memref<!tpu.dma_semaphore, #tpu.memory_space<semaphore_mem>>)
    %dma_start3A_20 = arith.constant 3072 : i32
    %dma_start3A_21 = tpu.memref_slice %arg6[%dma_start3A_20] : memref<5120xf32, #tpu.memory_space<vmem>> -> memref<1024xf32, #tpu.memory_space<vmem>>
    %dma_start3A_22 = arith.constant 3072 : i32
    %dma_start3A_23 = tpu.memref_slice %arg5[%dma_start3A_22] : memref<10240xi32, #tpu.memory_space<vmem>> -> memref<1024xi32, #tpu.memory_space<vmem>>
    %dma_start3A_24 = arith.constant 0 : i32
    %dma_start3A_25 = tpu.memref_slice %arg3[%dma_start3A_24] : memref<1000000xf32, #tpu.memory_space<hbm>> -> memref<1000000xf32, #tpu.memory_space<hbm>>
    tpu.enqueue_indirect_dma source(%dma_start3A_25 : memref<1000000xf32, #tpu.memory_space<hbm>>) target(%dma_start3A_21 : memref<1024xf32, #tpu.memory_space<vmem>>) offsets(%dma_start3A_23 : memref<1024xi32, #tpu.memory_space<vmem>>) semaphore(%arg11 : memref<!tpu.dma_semaphore, #tpu.memory_space<semaphore_mem>>)
    %dma_start3A_26 = arith.constant 4096 : i32
    %dma_start3A_27 = tpu.memref_slice %arg6[%dma_start3A_26] : memref<5120xf32, #tpu.memory_space<vmem>> -> memref<1024xf32, #tpu.memory_space<vmem>>
    %dma_start3A_28 = arith.constant 4096 : i32
    %dma_start3A_29 = tpu.memref_slice %arg5[%dma_start3A_28] : memref<10240xi32, #tpu.memory_space<vmem>> -> memref<1024xi32, #tpu.memory_space<vmem>>
    %dma_start3A_30 = arith.constant 0 : i32
    %dma_start3A_31 = tpu.memref_slice %arg3[%dma_start3A_30] : memref<1000000xf32, #tpu.memory_space<hbm>> -> memref<1000000xf32, #tpu.memory_space<hbm>>
    tpu.enqueue_indirect_dma source(%dma_start3A_31 : memref<1000000xf32, #tpu.memory_space<hbm>>) target(%dma_start3A_27 : memref<1024xf32, #tpu.memory_space<vmem>>) offsets(%dma_start3A_29 : memref<1024xi32, #tpu.memory_space<vmem>>) semaphore(%arg12 : memref<!tpu.dma_semaphore, #tpu.memory_space<semaphore_mem>>)
    %broadcast_in_dim3A = arith.constant 0.000000e+00 : f32
    %broadcast_in_dim3A_32 = vector.broadcast %broadcast_in_dim3A : f32 to vector<16xf32>
    %broadcast_in_dim3A_33 = arith.constant 0.000000e+00 : f32
    %broadcast_in_dim3A_34 = vector.broadcast %broadcast_in_dim3A_33 : f32 to vector<16xf32>
    %broadcast_in_dim3A_35 = arith.constant 0.000000e+00 : f32
    %broadcast_in_dim3A_36 = vector.broadcast %broadcast_in_dim3A_35 : f32 to vector<16xf32>
    %broadcast_in_dim3A_37 = arith.constant 0.000000e+00 : f32
    %broadcast_in_dim3A_38 = vector.broadcast %broadcast_in_dim3A_37 : f32 to vector<16xf32>
    %scan3A = arith.constant 0 : i32
    %scan3A_39 = arith.constant 2 : i32
    %scan3A_40 = arith.addi %scan3A, %scan3A_39 : i32
    %scan3A_41 = arith.constant 1 : i32
    %scan3A_42:4 = scf.for %scan3A_50 = %scan3A to %scan3A_40 step %scan3A_41 iter_args(%scan3A_51 = %broadcast_in_dim3A_32, %scan3A_52 = %broadcast_in_dim3A_34, %scan3A_53 = %broadcast_in_dim3A_36, %scan3A_54 = %broadcast_in_dim3A_38) -> (vector<16xf32>, vector<16xf32>, vector<16xf32>, vector<16xf32>)  : i32 {
      %mul3A_55 = arith.constant 5 : i32
      %mul3A_56 = arith.muli %scan3A_50, %mul3A_55 : i32
      %add3A_57 = arith.constant 0 : i32
      %add3A_58 = arith.addi %mul3A_56, %add3A_57 : i32
      %dma_wait3A = arith.constant 0 : i32
      %dma_wait3A_59 = tpu.memref_slice %arg6[%dma_wait3A] : memref<5120xf32, #tpu.memory_space<vmem>> -> memref<1024xf32, #tpu.memory_space<vmem>>
      %dma_wait3A_60 = arith.constant 0 : i32
      %dma_wait3A_61 = tpu.memref_slice %arg5[%dma_wait3A_60] : memref<10240xi32, #tpu.memory_space<vmem>> -> memref<1024xi32, #tpu.memory_space<vmem>>
      %dma_wait3A_62 = arith.constant 0 : i32
      %dma_wait3A_63 = tpu.memref_slice %arg3[%dma_wait3A_62] : memref<1000000xf32, #tpu.memory_space<hbm>> -> memref<1000000xf32, #tpu.memory_space<hbm>>
      tpu.wait_indirect_dma semaphore(%arg8 : memref<!tpu.dma_semaphore, #tpu.memory_space<semaphore_mem>>) src(%dma_wait3A_63 : memref<1000000xf32, #tpu.memory_space<hbm>>) dst(%dma_wait3A_59 : memref<1024xf32, #tpu.memory_space<vmem>>)
      %scan3A_64 = arith.constant 0 : i32
      %scan3A_65 = arith.constant 16 : i32
      %scan3A_66 = arith.addi %scan3A_64, %scan3A_65 : i32
      %scan3A_67 = arith.constant 1 : i32
      %scan3A_68:4 = scf.for %scan3A_186 = %scan3A_64 to %scan3A_66 step %scan3A_67 iter_args(%scan3A_187 = %scan3A_51, %scan3A_188 = %scan3A_52, %scan3A_189 = %scan3A_53, %scan3A_190 = %scan3A_54) -> (vector<16xf32>, vector<16xf32>, vector<16xf32>, vector<16xf32>)  : i32 {
        %mul3A_191 = arith.constant 4 : i32
        %mul3A_192 = arith.muli %scan3A_186, %mul3A_191 : i32
        %mul3A_193 = arith.constant 16 : i32
        %mul3A_194 = arith.muli %mul3A_192, %mul3A_193 : i32
        %add3A_195 = arith.constant 0 : i32
        %add3A_196 = arith.addi %add3A_195, %mul3A_194 : i32
        %add3A_197 = arith.constant 0 : i32
        %add3A_198 = arith.addi %add3A_196, %add3A_197 : i32
        %get3A = arith.index_cast %add3A_198 : i32 to index
        %get3A_199 = tpu.vector_load %arg6[%get3A] {strides = array<i32>} : memref<5120xf32, #tpu.memory_space<vmem>>, vector<16xf32>,
        %get3A_200 = vector.shape_cast %get3A_199 : vector<16xf32> to vector<16xf32>
        %add3A_201 = arith.addf %scan3A_187, %get3A_200 : vector<16xf32>
        %add3A_202 = arith.constant 16 : i32
        %add3A_203 = arith.addi %add3A_196, %add3A_202 : i32
        %get3A_204 = arith.index_cast %add3A_203 : i32 to index
        %get3A_205 = tpu.vector_load %arg6[%get3A_204] {strides = array<i32>} : memref<5120xf32, #tpu.memory_space<vmem>>, vector<16xf32>,
        %get3A_206 = vector.shape_cast %get3A_205 : vector<16xf32> to vector<16xf32>
        %add3A_207 = arith.addf %scan3A_188, %get3A_206 : vector<16xf32>
        %add3A_208 = arith.constant 32 : i32
        %add3A_209 = arith.addi %add3A_196, %add3A_208 : i32
        %get3A_210 = arith.index_cast %add3A_209 : i32 to index
        %get3A_211 = tpu.vector_load %arg6[%get3A_210] {strides = array<i32>} : memref<5120xf32, #tpu.memory_space<vmem>>, vector<16xf32>,
        %get3A_212 = vector.shape_cast %get3A_211 : vector<16xf32> to vector<16xf32>
        %add3A_213 = arith.addf %scan3A_189, %get3A_212 : vector<16xf32>
        %add3A_214 = arith.constant 48 : i32
        %add3A_215 = arith.addi %add3A_196, %add3A_214 : i32
        %get3A_216 = arith.index_cast %add3A_215 : i32 to index
        %get3A_217 = tpu.vector_load %arg6[%get3A_216] {strides = array<i32>} : memref<5120xf32, #tpu.memory_space<vmem>>, vector<16xf32>,
        %get3A_218 = vector.shape_cast %get3A_217 : vector<16xf32> to vector<16xf32>
        %add3A_219 = arith.addf %scan3A_190, %get3A_218 : vector<16xf32>
        scf.yield %add3A_201, %add3A_207, %add3A_213, %add3A_219 : vector<16xf32>, vector<16xf32>, vector<16xf32>, vector<16xf32>
      }
      %scan3A_69 = arith.constant 16 : i32
      %add3A_70 = arith.constant 5 : i32
      %add3A_71 = arith.addi %add3A_58, %add3A_70 : i32
      %lt3A = arith.constant 10 : i32
      %lt3A_72 = arith.cmpi slt, %add3A_71, %lt3A : i32
      %add3A_73 = arith.constant 5 : i32
      %add3A_74 = arith.addi %add3A_58, %add3A_73 : i32
      %mul3A_75 = arith.constant 1024 : i32
      %mul3A_76 = arith.muli %add3A_74, %mul3A_75 : i32
      %convert_element_type3A = arith.extui %lt3A_72 : i1 to i32
      %cond3A = arith.constant 0 : i32
      %cond3A_77 = arith.cmpi ne, %convert_element_type3A, %cond3A : i32
      scf.if %cond3A_77 {
        %dma_start3A_186 = arith.constant 0 : i32
        %dma_start3A_187 = tpu.memref_slice %arg6[%dma_start3A_186] : memref<5120xf32, #tpu.memory_space<vmem>> -> memref<1024xf32, #tpu.memory_space<vmem>>
        %dma_start3A_188 = tpu.memref_slice %arg5[%mul3A_76] : memref<10240xi32, #tpu.memory_space<vmem>> -> memref<1024xi32, #tpu.memory_space<vmem>>
        %dma_start3A_189 = arith.constant 0 : i32
        %dma_start3A_190 = tpu.memref_slice %arg3[%dma_start3A_189] : memref<1000000xf32, #tpu.memory_space<hbm>> -> memref<1000000xf32, #tpu.memory_space<hbm>>
        tpu.enqueue_indirect_dma source(%dma_start3A_190 : memref<1000000xf32, #tpu.memory_space<hbm>>) target(%dma_start3A_187 : memref<1024xf32, #tpu.memory_space<vmem>>) offsets(%dma_start3A_188 : memref<1024xi32, #tpu.memory_space<vmem>>) semaphore(%arg8 : memref<!tpu.dma_semaphore, #tpu.memory_space<semaphore_mem>>)
      } else {
      }
      %mul3A_78 = arith.constant 5 : i32
      %mul3A_79 = arith.muli %scan3A_50, %mul3A_78 : i32
      %add3A_80 = arith.constant 1 : i32
      %add3A_81 = arith.addi %mul3A_79, %add3A_80 : i32
      %dma_wait3A_82 = arith.constant 1024 : i32
      %dma_wait3A_83 = tpu.memref_slice %arg6[%dma_wait3A_82] : memref<5120xf32, #tpu.memory_space<vmem>> -> memref<1024xf32, #tpu.memory_space<vmem>>
      %dma_wait3A_84 = arith.constant 0 : i32
      %dma_wait3A_85 = tpu.memref_slice %arg5[%dma_wait3A_84] : memref<10240xi32, #tpu.memory_space<vmem>> -> memref<1024xi32, #tpu.memory_space<vmem>>
      %dma_wait3A_86 = arith.constant 0 : i32
      %dma_wait3A_87 = tpu.memref_slice %arg3[%dma_wait3A_86] : memref<1000000xf32, #tpu.memory_space<hbm>> -> memref<1000000xf32, #tpu.memory_space<hbm>>
      tpu.wait_indirect_dma semaphore(%arg9 : memref<!tpu.dma_semaphore, #tpu.memory_space<semaphore_mem>>) src(%dma_wait3A_87 : memref<1000000xf32, #tpu.memory_space<hbm>>) dst(%dma_wait3A_83 : memref<1024xf32, #tpu.memory_space<vmem>>)
      %scan3A_88 = arith.constant 0 : i32
      %scan3A_89 = arith.constant 16 : i32
      %scan3A_90 = arith.addi %scan3A_88, %scan3A_89 : i32
      %scan3A_91 = arith.constant 1 : i32
      %scan3A_92:4 = scf.for %scan3A_186 = %scan3A_88 to %scan3A_90 step %scan3A_91 iter_args(%scan3A_187 = %scan3A_68#0, %scan3A_188 = %scan3A_68#1, %scan3A_189 = %scan3A_68#2, %scan3A_190 = %scan3A_68#3) -> (vector<16xf32>, vector<16xf32>, vector<16xf32>, vector<16xf32>)  : i32 {
        %mul3A_191 = arith.constant 4 : i32
        %mul3A_192 = arith.muli %scan3A_186, %mul3A_191 : i32
        %mul3A_193 = arith.constant 16 : i32
        %mul3A_194 = arith.muli %mul3A_192, %mul3A_193 : i32
        %add3A_195 = arith.constant 1024 : i32
        %add3A_196 = arith.addi %add3A_195, %mul3A_194 : i32
        %add3A_197 = arith.constant 0 : i32
        %add3A_198 = arith.addi %add3A_196, %add3A_197 : i32
        %get3A = arith.index_cast %add3A_198 : i32 to index
        %get3A_199 = tpu.vector_load %arg6[%get3A] {strides = array<i32>} : memref<5120xf32, #tpu.memory_space<vmem>>, vector<16xf32>,
        %get3A_200 = vector.shape_cast %get3A_199 : vector<16xf32> to vector<16xf32>
        %add3A_201 = arith.addf %scan3A_187, %get3A_200 : vector<16xf32>
        %add3A_202 = arith.constant 16 : i32
        %add3A_203 = arith.addi %add3A_196, %add3A_202 : i32
        %get3A_204 = arith.index_cast %add3A_203 : i32 to index
        %get3A_205 = tpu.vector_load %arg6[%get3A_204] {strides = array<i32>} : memref<5120xf32, #tpu.memory_space<vmem>>, vector<16xf32>,
        %get3A_206 = vector.shape_cast %get3A_205 : vector<16xf32> to vector<16xf32>
        %add3A_207 = arith.addf %scan3A_188, %get3A_206 : vector<16xf32>
        %add3A_208 = arith.constant 32 : i32
        %add3A_209 = arith.addi %add3A_196, %add3A_208 : i32
        %get3A_210 = arith.index_cast %add3A_209 : i32 to index
        %get3A_211 = tpu.vector_load %arg6[%get3A_210] {strides = array<i32>} : memref<5120xf32, #tpu.memory_space<vmem>>, vector<16xf32>,
        %get3A_212 = vector.shape_cast %get3A_211 : vector<16xf32> to vector<16xf32>
        %add3A_213 = arith.addf %scan3A_189, %get3A_212 : vector<16xf32>
        %add3A_214 = arith.constant 48 : i32
        %add3A_215 = arith.addi %add3A_196, %add3A_214 : i32
        %get3A_216 = arith.index_cast %add3A_215 : i32 to index
        %get3A_217 = tpu.vector_load %arg6[%get3A_216] {strides = array<i32>} : memref<5120xf32, #tpu.memory_space<vmem>>, vector<16xf32>,
        %get3A_218 = vector.shape_cast %get3A_217 : vector<16xf32> to vector<16xf32>
        %add3A_219 = arith.addf %scan3A_190, %get3A_218 : vector<16xf32>
        scf.yield %add3A_201, %add3A_207, %add3A_213, %add3A_219 : vector<16xf32>, vector<16xf32>, vector<16xf32>, vector<16xf32>
      }
      %scan3A_93 = arith.constant 16 : i32
      %add3A_94 = arith.constant 5 : i32
      %add3A_95 = arith.addi %add3A_81, %add3A_94 : i32
      %lt3A_96 = arith.constant 10 : i32
      %lt3A_97 = arith.cmpi slt, %add3A_95, %lt3A_96 : i32
      %add3A_98 = arith.constant 5 : i32
      %add3A_99 = arith.addi %add3A_81, %add3A_98 : i32
      %mul3A_100 = arith.constant 1024 : i32
      %mul3A_101 = arith.muli %add3A_99, %mul3A_100 : i32
      %convert_element_type3A_102 = arith.extui %lt3A_97 : i1 to i32
      %cond3A_103 = arith.constant 0 : i32
      %cond3A_104 = arith.cmpi ne, %convert_element_type3A_102, %cond3A_103 : i32
      scf.if %cond3A_104 {
        %dma_start3A_186 = arith.constant 1024 : i32
        %dma_start3A_187 = tpu.memref_slice %arg6[%dma_start3A_186] : memref<5120xf32, #tpu.memory_space<vmem>> -> memref<1024xf32, #tpu.memory_space<vmem>>
        %dma_start3A_188 = tpu.memref_slice %arg5[%mul3A_101] : memref<10240xi32, #tpu.memory_space<vmem>> -> memref<1024xi32, #tpu.memory_space<vmem>>
        %dma_start3A_189 = arith.constant 0 : i32
        %dma_start3A_190 = tpu.memref_slice %arg3[%dma_start3A_189] : memref<1000000xf32, #tpu.memory_space<hbm>> -> memref<1000000xf32, #tpu.memory_space<hbm>>
        tpu.enqueue_indirect_dma source(%dma_start3A_190 : memref<1000000xf32, #tpu.memory_space<hbm>>) target(%dma_start3A_187 : memref<1024xf32, #tpu.memory_space<vmem>>) offsets(%dma_start3A_188 : memref<1024xi32, #tpu.memory_space<vmem>>) semaphore(%arg9 : memref<!tpu.dma_semaphore, #tpu.memory_space<semaphore_mem>>)
      } else {
      }
      %mul3A_105 = arith.constant 5 : i32
      %mul3A_106 = arith.muli %scan3A_50, %mul3A_105 : i32
      %add3A_107 = arith.constant 2 : i32
      %add3A_108 = arith.addi %mul3A_106, %add3A_107 : i32
      %dma_wait3A_109 = arith.constant 2048 : i32
      %dma_wait3A_110 = tpu.memref_slice %arg6[%dma_wait3A_109] : memref<5120xf32, #tpu.memory_space<vmem>> -> memref<1024xf32, #tpu.memory_space<vmem>>
      %dma_wait3A_111 = arith.constant 0 : i32
      %dma_wait3A_112 = tpu.memref_slice %arg5[%dma_wait3A_111] : memref<10240xi32, #tpu.memory_space<vmem>> -> memref<1024xi32, #tpu.memory_space<vmem>>
      %dma_wait3A_113 = arith.constant 0 : i32
      %dma_wait3A_114 = tpu.memref_slice %arg3[%dma_wait3A_113] : memref<1000000xf32, #tpu.memory_space<hbm>> -> memref<1000000xf32, #tpu.memory_space<hbm>>
      tpu.wait_indirect_dma semaphore(%arg10 : memref<!tpu.dma_semaphore, #tpu.memory_space<semaphore_mem>>) src(%dma_wait3A_114 : memref<1000000xf32, #tpu.memory_space<hbm>>) dst(%dma_wait3A_110 : memref<1024xf32, #tpu.memory_space<vmem>>)
      %scan3A_115 = arith.constant 0 : i32
      %scan3A_116 = arith.constant 16 : i32
      %scan3A_117 = arith.addi %scan3A_115, %scan3A_116 : i32
      %scan3A_118 = arith.constant 1 : i32
      %scan3A_119:4 = scf.for %scan3A_186 = %scan3A_115 to %scan3A_117 step %scan3A_118 iter_args(%scan3A_187 = %scan3A_92#0, %scan3A_188 = %scan3A_92#1, %scan3A_189 = %scan3A_92#2, %scan3A_190 = %scan3A_92#3) -> (vector<16xf32>, vector<16xf32>, vector<16xf32>, vector<16xf32>)  : i32 {
        %mul3A_191 = arith.constant 4 : i32
        %mul3A_192 = arith.muli %scan3A_186, %mul3A_191 : i32
        %mul3A_193 = arith.constant 16 : i32
        %mul3A_194 = arith.muli %mul3A_192, %mul3A_193 : i32
        %add3A_195 = arith.constant 2048 : i32
        %add3A_196 = arith.addi %add3A_195, %mul3A_194 : i32
        %add3A_197 = arith.constant 0 : i32
        %add3A_198 = arith.addi %add3A_196, %add3A_197 : i32
        %get3A = arith.index_cast %add3A_198 : i32 to index
        %get3A_199 = tpu.vector_load %arg6[%get3A] {strides = array<i32>} : memref<5120xf32, #tpu.memory_space<vmem>>, vector<16xf32>,
        %get3A_200 = vector.shape_cast %get3A_199 : vector<16xf32> to vector<16xf32>
        %add3A_201 = arith.addf %scan3A_187, %get3A_200 : vector<16xf32>
        %add3A_202 = arith.constant 16 : i32
        %add3A_203 = arith.addi %add3A_196, %add3A_202 : i32
        %get3A_204 = arith.index_cast %add3A_203 : i32 to index
        %get3A_205 = tpu.vector_load %arg6[%get3A_204] {strides = array<i32>} : memref<5120xf32, #tpu.memory_space<vmem>>, vector<16xf32>,
        %get3A_206 = vector.shape_cast %get3A_205 : vector<16xf32> to vector<16xf32>
        %add3A_207 = arith.addf %scan3A_188, %get3A_206 : vector<16xf32>
        %add3A_208 = arith.constant 32 : i32
        %add3A_209 = arith.addi %add3A_196, %add3A_208 : i32
        %get3A_210 = arith.index_cast %add3A_209 : i32 to index
        %get3A_211 = tpu.vector_load %arg6[%get3A_210] {strides = array<i32>} : memref<5120xf32, #tpu.memory_space<vmem>>, vector<16xf32>,
        %get3A_212 = vector.shape_cast %get3A_211 : vector<16xf32> to vector<16xf32>
        %add3A_213 = arith.addf %scan3A_189, %get3A_212 : vector<16xf32>
        %add3A_214 = arith.constant 48 : i32
        %add3A_215 = arith.addi %add3A_196, %add3A_214 : i32
        %get3A_216 = arith.index_cast %add3A_215 : i32 to index
        %get3A_217 = tpu.vector_load %arg6[%get3A_216] {strides = array<i32>} : memref<5120xf32, #tpu.memory_space<vmem>>, vector<16xf32>,
        %get3A_218 = vector.shape_cast %get3A_217 : vector<16xf32> to vector<16xf32>
        %add3A_219 = arith.addf %scan3A_190, %get3A_218 : vector<16xf32>
        scf.yield %add3A_201, %add3A_207, %add3A_213, %add3A_219 : vector<16xf32>, vector<16xf32>, vector<16xf32>, vector<16xf32>
      }
      %scan3A_120 = arith.constant 16 : i32
      %add3A_121 = arith.constant 5 : i32
      %add3A_122 = arith.addi %add3A_108, %add3A_121 : i32
      %lt3A_123 = arith.constant 10 : i32
      %lt3A_124 = arith.cmpi slt, %add3A_122, %lt3A_123 : i32
      %add3A_125 = arith.constant 5 : i32
      %add3A_126 = arith.addi %add3A_108, %add3A_125 : i32
      %mul3A_127 = arith.constant 1024 : i32
      %mul3A_128 = arith.muli %add3A_126, %mul3A_127 : i32
      %convert_element_type3A_129 = arith.extui %lt3A_124 : i1 to i32
      %cond3A_130 = arith.constant 0 : i32
      %cond3A_131 = arith.cmpi ne, %convert_element_type3A_129, %cond3A_130 : i32
      scf.if %cond3A_131 {
        %dma_start3A_186 = arith.constant 2048 : i32
        %dma_start3A_187 = tpu.memref_slice %arg6[%dma_start3A_186] : memref<5120xf32, #tpu.memory_space<vmem>> -> memref<1024xf32, #tpu.memory_space<vmem>>
        %dma_start3A_188 = tpu.memref_slice %arg5[%mul3A_128] : memref<10240xi32, #tpu.memory_space<vmem>> -> memref<1024xi32, #tpu.memory_space<vmem>>
        %dma_start3A_189 = arith.constant 0 : i32
        %dma_start3A_190 = tpu.memref_slice %arg3[%dma_start3A_189] : memref<1000000xf32, #tpu.memory_space<hbm>> -> memref<1000000xf32, #tpu.memory_space<hbm>>
        tpu.enqueue_indirect_dma source(%dma_start3A_190 : memref<1000000xf32, #tpu.memory_space<hbm>>) target(%dma_start3A_187 : memref<1024xf32, #tpu.memory_space<vmem>>) offsets(%dma_start3A_188 : memref<1024xi32, #tpu.memory_space<vmem>>) semaphore(%arg10 : memref<!tpu.dma_semaphore, #tpu.memory_space<semaphore_mem>>)
      } else {
      }
      %mul3A_132 = arith.constant 5 : i32
      %mul3A_133 = arith.muli %scan3A_50, %mul3A_132 : i32
      %add3A_134 = arith.constant 3 : i32
      %add3A_135 = arith.addi %mul3A_133, %add3A_134 : i32
      %dma_wait3A_136 = arith.constant 3072 : i32
      %dma_wait3A_137 = tpu.memref_slice %arg6[%dma_wait3A_136] : memref<5120xf32, #tpu.memory_space<vmem>> -> memref<1024xf32, #tpu.memory_space<vmem>>
      %dma_wait3A_138 = arith.constant 0 : i32
      %dma_wait3A_139 = tpu.memref_slice %arg5[%dma_wait3A_138] : memref<10240xi32, #tpu.memory_space<vmem>> -> memref<1024xi32, #tpu.memory_space<vmem>>
      %dma_wait3A_140 = arith.constant 0 : i32
      %dma_wait3A_141 = tpu.memref_slice %arg3[%dma_wait3A_140] : memref<1000000xf32, #tpu.memory_space<hbm>> -> memref<1000000xf32, #tpu.memory_space<hbm>>
      tpu.wait_indirect_dma semaphore(%arg11 : memref<!tpu.dma_semaphore, #tpu.memory_space<semaphore_mem>>) src(%dma_wait3A_141 : memref<1000000xf32, #tpu.memory_space<hbm>>) dst(%dma_wait3A_137 : memref<1024xf32, #tpu.memory_space<vmem>>)
      %scan3A_142 = arith.constant 0 : i32
      %scan3A_143 = arith.constant 16 : i32
      %scan3A_144 = arith.addi %scan3A_142, %scan3A_143 : i32
      %scan3A_145 = arith.constant 1 : i32
      %scan3A_146:4 = scf.for %scan3A_186 = %scan3A_142 to %scan3A_144 step %scan3A_145 iter_args(%scan3A_187 = %scan3A_119#0, %scan3A_188 = %scan3A_119#1, %scan3A_189 = %scan3A_119#2, %scan3A_190 = %scan3A_119#3) -> (vector<16xf32>, vector<16xf32>, vector<16xf32>, vector<16xf32>)  : i32 {
        %mul3A_191 = arith.constant 4 : i32
        %mul3A_192 = arith.muli %scan3A_186, %mul3A_191 : i32
        %mul3A_193 = arith.constant 16 : i32
        %mul3A_194 = arith.muli %mul3A_192, %mul3A_193 : i32
        %add3A_195 = arith.constant 3072 : i32
        %add3A_196 = arith.addi %add3A_195, %mul3A_194 : i32
        %add3A_197 = arith.constant 0 : i32
        %add3A_198 = arith.addi %add3A_196, %add3A_197 : i32
        %get3A = arith.index_cast %add3A_198 : i32 to index
        %get3A_199 = tpu.vector_load %arg6[%get3A] {strides = array<i32>} : memref<5120xf32, #tpu.memory_space<vmem>>, vector<16xf32>,
        %get3A_200 = vector.shape_cast %get3A_199 : vector<16xf32> to vector<16xf32>
        %add3A_201 = arith.addf %scan3A_187, %get3A_200 : vector<16xf32>
        %add3A_202 = arith.constant 16 : i32
        %add3A_203 = arith.addi %add3A_196, %add3A_202 : i32
        %get3A_204 = arith.index_cast %add3A_203 : i32 to index
        %get3A_205 = tpu.vector_load %arg6[%get3A_204] {strides = array<i32>} : memref<5120xf32, #tpu.memory_space<vmem>>, vector<16xf32>,
        %get3A_206 = vector.shape_cast %get3A_205 : vector<16xf32> to vector<16xf32>
        %add3A_207 = arith.addf %scan3A_188, %get3A_206 : vector<16xf32>
        %add3A_208 = arith.constant 32 : i32
        %add3A_209 = arith.addi %add3A_196, %add3A_208 : i32
        %get3A_210 = arith.index_cast %add3A_209 : i32 to index
        %get3A_211 = tpu.vector_load %arg6[%get3A_210] {strides = array<i32>} : memref<5120xf32, #tpu.memory_space<vmem>>, vector<16xf32>,
        %get3A_212 = vector.shape_cast %get3A_211 : vector<16xf32> to vector<16xf32>
        %add3A_213 = arith.addf %scan3A_189, %get3A_212 : vector<16xf32>
        %add3A_214 = arith.constant 48 : i32
        %add3A_215 = arith.addi %add3A_196, %add3A_214 : i32
        %get3A_216 = arith.index_cast %add3A_215 : i32 to index
        %get3A_217 = tpu.vector_load %arg6[%get3A_216] {strides = array<i32>} : memref<5120xf32, #tpu.memory_space<vmem>>, vector<16xf32>,
        %get3A_218 = vector.shape_cast %get3A_217 : vector<16xf32> to vector<16xf32>
        %add3A_219 = arith.addf %scan3A_190, %get3A_218 : vector<16xf32>
        scf.yield %add3A_201, %add3A_207, %add3A_213, %add3A_219 : vector<16xf32>, vector<16xf32>, vector<16xf32>, vector<16xf32>
      }
      %scan3A_147 = arith.constant 16 : i32
      %add3A_148 = arith.constant 5 : i32
      %add3A_149 = arith.addi %add3A_135, %add3A_148 : i32
      %lt3A_150 = arith.constant 10 : i32
      %lt3A_151 = arith.cmpi slt, %add3A_149, %lt3A_150 : i32
      %add3A_152 = arith.constant 5 : i32
      %add3A_153 = arith.addi %add3A_135, %add3A_152 : i32
      %mul3A_154 = arith.constant 1024 : i32
      %mul3A_155 = arith.muli %add3A_153, %mul3A_154 : i32
      %convert_element_type3A_156 = arith.extui %lt3A_151 : i1 to i32
      %cond3A_157 = arith.constant 0 : i32
      %cond3A_158 = arith.cmpi ne, %convert_element_type3A_156, %cond3A_157 : i32
      scf.if %cond3A_158 {
        %dma_start3A_186 = arith.constant 3072 : i32
        %dma_start3A_187 = tpu.memref_slice %arg6[%dma_start3A_186] : memref<5120xf32, #tpu.memory_space<vmem>> -> memref<1024xf32, #tpu.memory_space<vmem>>
        %dma_start3A_188 = tpu.memref_slice %arg5[%mul3A_155] : memref<10240xi32, #tpu.memory_space<vmem>> -> memref<1024xi32, #tpu.memory_space<vmem>>
        %dma_start3A_189 = arith.constant 0 : i32
        %dma_start3A_190 = tpu.memref_slice %arg3[%dma_start3A_189] : memref<1000000xf32, #tpu.memory_space<hbm>> -> memref<1000000xf32, #tpu.memory_space<hbm>>
        tpu.enqueue_indirect_dma source(%dma_start3A_190 : memref<1000000xf32, #tpu.memory_space<hbm>>) target(%dma_start3A_187 : memref<1024xf32, #tpu.memory_space<vmem>>) offsets(%dma_start3A_188 : memref<1024xi32, #tpu.memory_space<vmem>>) semaphore(%arg11 : memref<!tpu.dma_semaphore, #tpu.memory_space<semaphore_mem>>)
      } else {
      }
      %mul3A_159 = arith.constant 5 : i32
      %mul3A_160 = arith.muli %scan3A_50, %mul3A_159 : i32
      %add3A_161 = arith.constant 4 : i32
      %add3A_162 = arith.addi %mul3A_160, %add3A_161 : i32
      %dma_wait3A_163 = arith.constant 4096 : i32
      %dma_wait3A_164 = tpu.memref_slice %arg6[%dma_wait3A_163] : memref<5120xf32, #tpu.memory_space<vmem>> -> memref<1024xf32, #tpu.memory_space<vmem>>
      %dma_wait3A_165 = arith.constant 0 : i32
      %dma_wait3A_166 = tpu.memref_slice %arg5[%dma_wait3A_165] : memref<10240xi32, #tpu.memory_space<vmem>> -> memref<1024xi32, #tpu.memory_space<vmem>>
      %dma_wait3A_167 = arith.constant 0 : i32
      %dma_wait3A_168 = tpu.memref_slice %arg3[%dma_wait3A_167] : memref<1000000xf32, #tpu.memory_space<hbm>> -> memref<1000000xf32, #tpu.memory_space<hbm>>
      tpu.wait_indirect_dma semaphore(%arg12 : memref<!tpu.dma_semaphore, #tpu.memory_space<semaphore_mem>>) src(%dma_wait3A_168 : memref<1000000xf32, #tpu.memory_space<hbm>>) dst(%dma_wait3A_164 : memref<1024xf32, #tpu.memory_space<vmem>>)
      %scan3A_169 = arith.constant 0 : i32
      %scan3A_170 = arith.constant 16 : i32
      %scan3A_171 = arith.addi %scan3A_169, %scan3A_170 : i32
      %scan3A_172 = arith.constant 1 : i32
      %scan3A_173:4 = scf.for %scan3A_186 = %scan3A_169 to %scan3A_171 step %scan3A_172 iter_args(%scan3A_187 = %scan3A_146#0, %scan3A_188 = %scan3A_146#1, %scan3A_189 = %scan3A_146#2, %scan3A_190 = %scan3A_146#3) -> (vector<16xf32>, vector<16xf32>, vector<16xf32>, vector<16xf32>)  : i32 {
        %mul3A_191 = arith.constant 4 : i32
        %mul3A_192 = arith.muli %scan3A_186, %mul3A_191 : i32
        %mul3A_193 = arith.constant 16 : i32
        %mul3A_194 = arith.muli %mul3A_192, %mul3A_193 : i32
        %add3A_195 = arith.constant 4096 : i32
        %add3A_196 = arith.addi %add3A_195, %mul3A_194 : i32
        %add3A_197 = arith.constant 0 : i32
        %add3A_198 = arith.addi %add3A_196, %add3A_197 : i32
        %get3A = arith.index_cast %add3A_198 : i32 to index
        %get3A_199 = tpu.vector_load %arg6[%get3A] {strides = array<i32>} : memref<5120xf32, #tpu.memory_space<vmem>>, vector<16xf32>,
        %get3A_200 = vector.shape_cast %get3A_199 : vector<16xf32> to vector<16xf32>
        %add3A_201 = arith.addf %scan3A_187, %get3A_200 : vector<16xf32>
        %add3A_202 = arith.constant 16 : i32
        %add3A_203 = arith.addi %add3A_196, %add3A_202 : i32
        %get3A_204 = arith.index_cast %add3A_203 : i32 to index
        %get3A_205 = tpu.vector_load %arg6[%get3A_204] {strides = array<i32>} : memref<5120xf32, #tpu.memory_space<vmem>>, vector<16xf32>,
        %get3A_206 = vector.shape_cast %get3A_205 : vector<16xf32> to vector<16xf32>
        %add3A_207 = arith.addf %scan3A_188, %get3A_206 : vector<16xf32>
        %add3A_208 = arith.constant 32 : i32
        %add3A_209 = arith.addi %add3A_196, %add3A_208 : i32
        %get3A_210 = arith.index_cast %add3A_209 : i32 to index
        %get3A_211 = tpu.vector_load %arg6[%get3A_210] {strides = array<i32>} : memref<5120xf32, #tpu.memory_space<vmem>>, vector<16xf32>,
        %get3A_212 = vector.shape_cast %get3A_211 : vector<16xf32> to vector<16xf32>
        %add3A_213 = arith.addf %scan3A_189, %get3A_212 : vector<16xf32>
        %add3A_214 = arith.constant 48 : i32
        %add3A_215 = arith.addi %add3A_196, %add3A_214 : i32
        %get3A_216 = arith.index_cast %add3A_215 : i32 to index
        %get3A_217 = tpu.vector_load %arg6[%get3A_216] {strides = array<i32>} : memref<5120xf32, #tpu.memory_space<vmem>>, vector<16xf32>,
        %get3A_218 = vector.shape_cast %get3A_217 : vector<16xf32> to vector<16xf32>
        %add3A_219 = arith.addf %scan3A_190, %get3A_218 : vector<16xf32>
        scf.yield %add3A_201, %add3A_207, %add3A_213, %add3A_219 : vector<16xf32>, vector<16xf32>, vector<16xf32>, vector<16xf32>
      }
      %scan3A_174 = arith.constant 16 : i32
      %add3A_175 = arith.constant 5 : i32
      %add3A_176 = arith.addi %add3A_162, %add3A_175 : i32
      %lt3A_177 = arith.constant 10 : i32
      %lt3A_178 = arith.cmpi slt, %add3A_176, %lt3A_177 : i32
      %add3A_179 = arith.constant 5 : i32
      %add3A_180 = arith.addi %add3A_162, %add3A_179 : i32
      %mul3A_181 = arith.constant 1024 : i32
      %mul3A_182 = arith.muli %add3A_180, %mul3A_181 : i32
      %convert_element_type3A_183 = arith.extui %lt3A_178 : i1 to i32
      %cond3A_184 = arith.constant 0 : i32
      %cond3A_185 = arith.cmpi ne, %convert_element_type3A_183, %cond3A_184 : i32
      scf.if %cond3A_185 {
        %dma_start3A_186 = arith.constant 4096 : i32
        %dma_start3A_187 = tpu.memref_slice %arg6[%dma_start3A_186] : memref<5120xf32, #tpu.memory_space<vmem>> -> memref<1024xf32, #tpu.memory_space<vmem>>
        %dma_start3A_188 = tpu.memref_slice %arg5[%mul3A_182] : memref<10240xi32, #tpu.memory_space<vmem>> -> memref<1024xi32, #tpu.memory_space<vmem>>
        %dma_start3A_189 = arith.constant 0 : i32
        %dma_start3A_190 = tpu.memref_slice %arg3[%dma_start3A_189] : memref<1000000xf32, #tpu.memory_space<hbm>> -> memref<1000000xf32, #tpu.memory_space<hbm>>
        tpu.enqueue_indirect_dma source(%dma_start3A_190 : memref<1000000xf32, #tpu.memory_space<hbm>>) target(%dma_start3A_187 : memref<1024xf32, #tpu.memory_space<vmem>>) offsets(%dma_start3A_188 : memref<1024xi32, #tpu.memory_space<vmem>>) semaphore(%arg12 : memref<!tpu.dma_semaphore, #tpu.memory_space<semaphore_mem>>)
      } else {
      }
      scf.yield %scan3A_173#0, %scan3A_173#1, %scan3A_173#2, %scan3A_173#3 : vector<16xf32>, vector<16xf32>, vector<16xf32>, vector<16xf32>
    }
    %scan3A_43 = arith.constant 2 : i32
    %add3A_44 = arith.addf %scan3A_42#0, %scan3A_42#1 : vector<16xf32>
    %add3A_45 = arith.addf %scan3A_42#2, %scan3A_42#3 : vector<16xf32>
    %add3A_46 = arith.addf %add3A_44, %add3A_45 : vector<16xf32>
    %swap3A = arith.constant 0 : index
    %swap3A_47 = tpu.vector_load %arg7[%swap3A] {strides = array<i32>} : memref<16xf32, #tpu.memory_space<vmem>>, vector<16xf32>,
    %swap3A_48 = vector.shape_cast %swap3A_47 : vector<16xf32> to vector<16xf32>
    %swap3A_49 = vector.shape_cast %add3A_46 : vector<16xf32> to vector<16xf32>
    tpu.vector_store %arg7[%swap3A], %swap3A_49 {strides = array<i32>} : memref<16xf32, #tpu.memory_space<vmem>>, vector<16xf32>,
    "tpu.region"() ({
      %run_scoped3A = tpu.sem_alloc : memref<!tpu.dma_semaphore, #tpu.memory_space<semaphore_mem>>
      %dma_start3A_50 = arith.constant 0 : i32
      %dma_start3A_51 = tpu.memref_slice %arg4[%add3A, %dma_start3A_50] : memref<32x16xf32, #tpu.memory_space<hbm>> -> memref<1x16xf32, #tpu.memory_space<hbm>>
      %dma_start3A_52 = tpu.memref_squeeze %dma_start3A_51 : memref<1x16xf32, #tpu.memory_space<hbm>> -> memref<16xf32, #tpu.memory_space<hbm>>
      %dma_start3A_53 = arith.constant 0 : i32
      %dma_start3A_54 = tpu.memref_slice %arg4[%add3A, %dma_start3A_53] : memref<32x16xf32, #tpu.memory_space<hbm>> -> memref<1x16xf32, #tpu.memory_space<hbm>>
      %dma_start3A_55 = tpu.memref_squeeze %dma_start3A_54 : memref<1x16xf32, #tpu.memory_space<hbm>> -> memref<16xf32, #tpu.memory_space<hbm>>
      tpu.enqueue_dma source(%arg7 : memref<16xf32, #tpu.memory_space<vmem>>) target(%dma_start3A_55 : memref<16xf32, #tpu.memory_space<hbm>>) target_semaphore(%run_scoped3A : memref<!tpu.dma_semaphore, #tpu.memory_space<semaphore_mem>>)
      %dma_wait3A = arith.constant 0 : i32
      %dma_wait3A_56 = tpu.memref_slice %arg4[%add3A, %dma_wait3A] : memref<32x16xf32, #tpu.memory_space<hbm>> -> memref<1x16xf32, #tpu.memory_space<hbm>>
      %dma_wait3A_57 = tpu.memref_squeeze %dma_wait3A_56 : memref<1x16xf32, #tpu.memory_space<hbm>> -> memref<16xf32, #tpu.memory_space<hbm>>
      %dma_wait3A_58 = arith.constant 0 : i32
      %dma_wait3A_59 = tpu.memref_slice %arg4[%add3A, %dma_wait3A_58] : memref<32x16xf32, #tpu.memory_space<hbm>> -> memref<1x16xf32, #tpu.memory_space<hbm>>
      %dma_wait3A_60 = tpu.memref_squeeze %dma_wait3A_59 : memref<1x16xf32, #tpu.memory_space<hbm>> -> memref<16xf32, #tpu.memory_space<hbm>>
      tpu.wait_dma2 semaphore(%run_scoped3A : memref<!tpu.dma_semaphore, #tpu.memory_space<semaphore_mem>>) src(%arg7 : memref<16xf32, #tpu.memory_space<vmem>>) dst(%dma_wait3A_60 : memref<16xf32, #tpu.memory_space<hbm>>)
      tpu.yield
    }) : () -> ()
    return
  }
}

#map = affine_map<(d0, d1) -> (0)>
module attributes {stable_mosaic.version = 14 : i64} {
  func.func @remap_kernel(%arg0: i32, %arg1: i32, %arg2: memref<327680xi32, #tpu.memory_space<hbm>>, %arg3: memref<327680xi32, #tpu.memory_space<hbm>>, %arg4: memref<327680xi32, #tpu.memory_space<hbm>>, %arg5: memref<327680xi32, #tpu.memory_space<hbm>>, %arg6: memref<10240xi32, #tpu.memory_space<vmem>>) attributes {dimension_semantics = [#tpu.dimension_semantics<core_parallel>, #tpu.dimension_semantics<subcore_parallel>], iteration_bounds = array<i64: 2, 16>, scalar_prefetch = 0 : i64, scratch_operands = 1 : i64, tpu.core_type = #tpu.core_type<sc_vector_subcore>, window_params = [{transform_indices = #map}, {transform_indices = #map}, {transform_indices = #map}, {transform_indices = #map}]} {
    %mul3A = arith.constant 2 : i32
    %mul3A_0 = arith.muli %arg1, %mul3A : i32
    %add3A = arith.addi %mul3A_0, %arg0 : i32
    %mul3A_1 = arith.constant 10240 : i32
    %mul3A_2 = arith.muli %add3A, %mul3A_1 : i32
    "tpu.region"() ({
      %run_scoped3A = tpu.sem_alloc : memref<!tpu.dma_semaphore, #tpu.memory_space<semaphore_mem>>
      %dma_start3A = tpu.memref_slice %arg2[%mul3A_2] : memref<327680xi32, #tpu.memory_space<hbm>> -> memref<10240xi32, #tpu.memory_space<hbm>>
      %dma_start3A_14 = tpu.memref_slice %arg2[%mul3A_2] : memref<327680xi32, #tpu.memory_space<hbm>> -> memref<10240xi32, #tpu.memory_space<hbm>>
      tpu.enqueue_dma source(%dma_start3A_14 : memref<10240xi32, #tpu.memory_space<hbm>>) target(%arg6 : memref<10240xi32, #tpu.memory_space<vmem>>) target_semaphore(%run_scoped3A : memref<!tpu.dma_semaphore, #tpu.memory_space<semaphore_mem>>)
      %dma_wait3A = tpu.memref_slice %arg2[%mul3A_2] : memref<327680xi32, #tpu.memory_space<hbm>> -> memref<10240xi32, #tpu.memory_space<hbm>>
      %dma_wait3A_15 = tpu.memref_slice %arg2[%mul3A_2] : memref<327680xi32, #tpu.memory_space<hbm>> -> memref<10240xi32, #tpu.memory_space<hbm>>
      tpu.wait_dma2 semaphore(%run_scoped3A : memref<!tpu.dma_semaphore, #tpu.memory_space<semaphore_mem>>) src(%dma_wait3A_15 : memref<10240xi32, #tpu.memory_space<hbm>>) dst(%arg6 : memref<10240xi32, #tpu.memory_space<vmem>>)
      tpu.yield
    }) : () -> ()
    %scan3A = arith.constant 0 : i32
    %scan3A_3 = arith.constant 0 : i32
    %scan3A_4 = arith.constant 640 : i32
    %scan3A_5 = arith.addi %scan3A_3, %scan3A_4 : i32
    %scan3A_6 = arith.constant 1 : i32
    scf.for %scan3A_14 = %scan3A_3 to %scan3A_5 step %scan3A_6  : i32 {
      %mul3A_15 = arith.constant 16 : i32
      %mul3A_16 = arith.muli %scan3A_14, %mul3A_15 : i32
      %get3A = arith.index_cast %mul3A_16 : i32 to index
      %get3A_17 = tpu.vector_load %arg6[%get3A] {strides = array<i32>} : memref<10240xi32, #tpu.memory_space<vmem>>, vector<16xi32>,
      %get3A_18 = vector.shape_cast %get3A_17 : vector<16xi32> to vector<16xi32>
      %ge3A = arith.constant 2000000 : i32
      %ge3A_19 = vector.broadcast %ge3A : i32 to vector<16xi32>
      %ge3A_20 = arith.cmpi sge, %get3A_18, %ge3A_19 : vector<16xi32>
      %sub3A = arith.constant 2000000 : i32
      %sub3A_21 = vector.broadcast %sub3A : i32 to vector<16xi32>
      %sub3A_22 = arith.subi %get3A_18, %sub3A_21 : vector<16xi32>
      %select_n3A = arith.select %ge3A_20, %sub3A_22, %get3A_18 : vector<16xi1>, vector<16xi32>
      %ge3A_23 = arith.constant 1000000 : i32
      %ge3A_24 = vector.broadcast %ge3A_23 : i32 to vector<16xi32>
      %ge3A_25 = arith.cmpi sge, %select_n3A, %ge3A_24 : vector<16xi32>
      %sub3A_26 = arith.constant 1000000 : i32
      %sub3A_27 = vector.broadcast %sub3A_26 : i32 to vector<16xi32>
      %sub3A_28 = arith.subi %select_n3A, %sub3A_27 : vector<16xi32>
      %select_n3A_29 = arith.select %ge3A_25, %sub3A_28, %select_n3A : vector<16xi1>, vector<16xi32>
      %mul3A_30 = arith.constant 16 : i32
      %mul3A_31 = arith.muli %scan3A_14, %mul3A_30 : i32
      %swap3A = arith.index_cast %mul3A_31 : i32 to index
      %swap3A_32 = tpu.vector_load %arg6[%swap3A] {strides = array<i32>} : memref<10240xi32, #tpu.memory_space<vmem>>, vector<16xi32>,
      %swap3A_33 = vector.shape_cast %swap3A_32 : vector<16xi32> to vector<16xi32>
      %swap3A_34 = vector.shape_cast %select_n3A_29 : vector<16xi32> to vector<16xi32>
      tpu.vector_store %arg6[%swap3A], %swap3A_34 {strides = array<i32>} : memref<10240xi32, #tpu.memory_space<vmem>>, vector<16xi32>,
    }
    %scan3A_7 = arith.constant 640 : i32
    "tpu.region"() ({
      %run_scoped3A = tpu.sem_alloc : memref<!tpu.dma_semaphore, #tpu.memory_space<semaphore_mem>>
      %dma_start3A = tpu.memref_slice %arg4[%mul3A_2] : memref<327680xi32, #tpu.memory_space<hbm>> -> memref<10240xi32, #tpu.memory_space<hbm>>
      %dma_start3A_14 = tpu.memref_slice %arg4[%mul3A_2] : memref<327680xi32, #tpu.memory_space<hbm>> -> memref<10240xi32, #tpu.memory_space<hbm>>
      tpu.enqueue_dma source(%arg6 : memref<10240xi32, #tpu.memory_space<vmem>>) target(%dma_start3A_14 : memref<10240xi32, #tpu.memory_space<hbm>>) target_semaphore(%run_scoped3A : memref<!tpu.dma_semaphore, #tpu.memory_space<semaphore_mem>>)
      %dma_wait3A = tpu.memref_slice %arg4[%mul3A_2] : memref<327680xi32, #tpu.memory_space<hbm>> -> memref<10240xi32, #tpu.memory_space<hbm>>
      %dma_wait3A_15 = tpu.memref_slice %arg4[%mul3A_2] : memref<327680xi32, #tpu.memory_space<hbm>> -> memref<10240xi32, #tpu.memory_space<hbm>>
      tpu.wait_dma2 semaphore(%run_scoped3A : memref<!tpu.dma_semaphore, #tpu.memory_space<semaphore_mem>>) src(%arg6 : memref<10240xi32, #tpu.memory_space<vmem>>) dst(%dma_wait3A_15 : memref<10240xi32, #tpu.memory_space<hbm>>)
      tpu.yield
    }) : () -> ()
    "tpu.region"() ({
      %run_scoped3A = tpu.sem_alloc : memref<!tpu.dma_semaphore, #tpu.memory_space<semaphore_mem>>
      %dma_start3A = tpu.memref_slice %arg3[%mul3A_2] : memref<327680xi32, #tpu.memory_space<hbm>> -> memref<10240xi32, #tpu.memory_space<hbm>>
      %dma_start3A_14 = tpu.memref_slice %arg3[%mul3A_2] : memref<327680xi32, #tpu.memory_space<hbm>> -> memref<10240xi32, #tpu.memory_space<hbm>>
      tpu.enqueue_dma source(%dma_start3A_14 : memref<10240xi32, #tpu.memory_space<hbm>>) target(%arg6 : memref<10240xi32, #tpu.memory_space<vmem>>) target_semaphore(%run_scoped3A : memref<!tpu.dma_semaphore, #tpu.memory_space<semaphore_mem>>)
      %dma_wait3A = tpu.memref_slice %arg3[%mul3A_2] : memref<327680xi32, #tpu.memory_space<hbm>> -> memref<10240xi32, #tpu.memory_space<hbm>>
      %dma_wait3A_15 = tpu.memref_slice %arg3[%mul3A_2] : memref<327680xi32, #tpu.memory_space<hbm>> -> memref<10240xi32, #tpu.memory_space<hbm>>
      tpu.wait_dma2 semaphore(%run_scoped3A : memref<!tpu.dma_semaphore, #tpu.memory_space<semaphore_mem>>) src(%dma_wait3A_15 : memref<10240xi32, #tpu.memory_space<hbm>>) dst(%arg6 : memref<10240xi32, #tpu.memory_space<vmem>>)
      tpu.yield
    }) : () -> ()
    %scan3A_8 = arith.constant 0 : i32
    %scan3A_9 = arith.constant 0 : i32
    %scan3A_10 = arith.constant 640 : i32
    %scan3A_11 = arith.addi %scan3A_9, %scan3A_10 : i32
    %scan3A_12 = arith.constant 1 : i32
    scf.for %scan3A_14 = %scan3A_9 to %scan3A_11 step %scan3A_12  : i32 {
      %mul3A_15 = arith.constant 16 : i32
      %mul3A_16 = arith.muli %scan3A_14, %mul3A_15 : i32
      %get3A = arith.index_cast %mul3A_16 : i32 to index
      %get3A_17 = tpu.vector_load %arg6[%get3A] {strides = array<i32>} : memref<10240xi32, #tpu.memory_space<vmem>>, vector<16xi32>,
      %get3A_18 = vector.shape_cast %get3A_17 : vector<16xi32> to vector<16xi32>
      %ge3A = arith.constant 2000000 : i32
      %ge3A_19 = vector.broadcast %ge3A : i32 to vector<16xi32>
      %ge3A_20 = arith.cmpi sge, %get3A_18, %ge3A_19 : vector<16xi32>
      %sub3A = arith.constant 2000000 : i32
      %sub3A_21 = vector.broadcast %sub3A : i32 to vector<16xi32>
      %sub3A_22 = arith.subi %get3A_18, %sub3A_21 : vector<16xi32>
      %select_n3A = arith.select %ge3A_20, %sub3A_22, %get3A_18 : vector<16xi1>, vector<16xi32>
      %ge3A_23 = arith.constant 1000000 : i32
      %ge3A_24 = vector.broadcast %ge3A_23 : i32 to vector<16xi32>
      %ge3A_25 = arith.cmpi sge, %select_n3A, %ge3A_24 : vector<16xi32>
      %sub3A_26 = arith.constant 1000000 : i32
      %sub3A_27 = vector.broadcast %sub3A_26 : i32 to vector<16xi32>
      %sub3A_28 = arith.subi %select_n3A, %sub3A_27 : vector<16xi32>
      %select_n3A_29 = arith.select %ge3A_25, %sub3A_28, %select_n3A : vector<16xi1>, vector<16xi32>
      %mul3A_30 = arith.constant 16 : i32
      %mul3A_31 = arith.muli %scan3A_14, %mul3A_30 : i32
      %swap3A = arith.index_cast %mul3A_31 : i32 to index
      %swap3A_32 = tpu.vector_load %arg6[%swap3A] {strides = array<i32>} : memref<10240xi32, #tpu.memory_space<vmem>>, vector<16xi32>,
      %swap3A_33 = vector.shape_cast %swap3A_32 : vector<16xi32> to vector<16xi32>
      %swap3A_34 = vector.shape_cast %select_n3A_29 : vector<16xi32> to vector<16xi32>
      tpu.vector_store %arg6[%swap3A], %swap3A_34 {strides = array<i32>} : memref<10240xi32, #tpu.memory_space<vmem>>, vector<16xi32>,
    }
    %scan3A_13 = arith.constant 640 : i32
    "tpu.region"() ({
      %run_scoped3A = tpu.sem_alloc : memref<!tpu.dma_semaphore, #tpu.memory_space<semaphore_mem>>
      %dma_start3A = tpu.memref_slice %arg5[%mul3A_2] : memref<327680xi32, #tpu.memory_space<hbm>> -> memref<10240xi32, #tpu.memory_space<hbm>>
      %dma_start3A_14 = tpu.memref_slice %arg5[%mul3A_2] : memref<327680xi32, #tpu.memory_space<hbm>> -> memref<10240xi32, #tpu.memory_space<hbm>>
      tpu.enqueue_dma source(%arg6 : memref<10240xi32, #tpu.memory_space<vmem>>) target(%dma_start3A_14 : memref<10240xi32, #tpu.memory_space<hbm>>) target_semaphore(%run_scoped3A : memref<!tpu.dma_semaphore, #tpu.memory_space<semaphore_mem>>)
      %dma_wait3A = tpu.memref_slice %arg5[%mul3A_2] : memref<327680xi32, #tpu.memory_space<hbm>> -> memref<10240xi32, #tpu.memory_space<hbm>>
      %dma_wait3A_15 = tpu.memref_slice %arg5[%mul3A_2] : memref<327680xi32, #tpu.memory_space<hbm>> -> memref<10240xi32, #tpu.memory_space<hbm>>
      tpu.wait_dma2 semaphore(%run_scoped3A : memref<!tpu.dma_semaphore, #tpu.memory_space<semaphore_mem>>) src(%arg6 : memref<10240xi32, #tpu.memory_space<vmem>>) dst(%dma_wait3A_15 : memref<10240xi32, #tpu.memory_space<hbm>>)
      tpu.yield
    }) : () -> ()
    return
  }
}

</mosaic_0001>

<sc_bundles>
// kernel: kernel.11.cloned.1.call-start
scs
__scs_entry_jumppad:
0x0: {  	(pc) =	sbr.rel $0x88, $3  }
0x1: {  	(tag) =	ssettag $0x0;
	lr =	simm.s32 $0x1  }
0x2: {  	[smem:$0x3F9D] =	sst lr;
	_ =	strace $0xD0000000  }
0x3: {  	_ = 	snop  }
0x4: {  	_ = 	snop  }
0x5: {  	_ = 	snop  }
0x6: {  	_ = 	snop  }
0x7: {  	_ = 	snop  }
__scs_overlays_trampoline_lowered:
0x8: {  	[smem:$0x3FAC] =	sst s0  }
0x9: {  	[smem:$0x3FAD] =	sst s1  }
0xa: {  	[smem:$0x3FAE] =	sst s2  }
0xb: {  	[smem:$0x3FAF] =	sst s3  }
0xc: {  	[smem:$0x3FB0] =	sst s4  }
0xd: {  	[smem:$0x3FB1] =	sst s5  }
0xe: {  	[smem:$0x3FB2] =	sst s6  }
0xf: {  	[smem:$0x3FB3] =	sst s7  }
0x10: {  	[smem:$0x3FB4] =	sst s8  }
0x11: {  	[smem:$0x3FB5] =	sst s9;
	s0 =	simm.s32 @!p0 $0x0  }
0x12: {  	s1 =	sld [smem:$0x3F9B];
	s0 =	simm.s32 @p0 $0x1  }
0x13: {  	[smem:$0x3FB6] =	sst s0;
	s0 =	simm.s32 @!p1 $0x0  }
0x14: {  	s2 =	sld [smem:$0x3F9A];
	s0 =	simm.s32 @p1 $0x1  }
0x15: {  	[smem:$0x3FB7] =	sst s0;
	s0 =	simm.s32 @!p2 $0x0  }
0x16: {  	s3 =	sld [smem:$0x3FDB];
	s0 =	simm.s32 @p2 $0x1  }
0x17: {  	s4 =	simm.s32 $0x1BF5;
	[smem:$0x3FB9] =	sst s0  }
0x18: {  	s0 =	sld [smem:$0x3F9C];
	_ =	swait.ge [sflag:s4], $0x0  }
0x19: {  	s7 =	sld [smem:$0x3F9D]  }
0x1a: {  	s8 =	sadd.s32 $0xFFFFE003, lr  }
0x1b: {  	s9 =	sadd.s32 $0xFFFFFEF7, lr;
	s5 =	simm.s32 $0xFFFFFFFF;
	p2 =	slt.u32 s8, $0xFFFFF086  }
0x1c: {  	p1 =	slt.u32 s9, $0xF7A;
	s5 =	simm.s32 @!p2 $0x0  }
0x1d: {  	s5 =	simm.s32 @p1 $0x1;
	p0 =	seq.s32 s7, s2  }
0x1e: {  	s7 =	smul.u32 @!p0 $0xF7A, s2;
	p2 =	seq.s32 @!p0 s5, $0x0  }
0x1f: {  	s9 =	smul.u32 $0xF7A, s1;
	s8 =	simm.s32 @!p0 $0x1BF5;
	p2 =	por !p2, p0  }
0x20: {  	[sflag:s8] =	ssyncset.s32 @!p0 $0xFFFFF086;
	s6 =	sadd.s32 @!p0 s3, s7;
	s7 =	simm.s32 @!p0 $0x108  }
0x21: {  	s3 =	sadd.s32 s3, s9;
	s6 =	sadd.s32 @!p0 $0x88, s6;
	s7 =	simm.s32 @p2 $0x1082  }
0x22: {  	[simem:s7], [sflag:s8] =	dma.local @!p0 [hbm:s6], $0xF7A  }
0x23: {  	s9 =	sor.u32 $0xD0000000, s2;
	s6 =	simm.s32 $0x108;
	_ =	swait.ge @!p0 [sflag:s8], $0x0  }
0x24: {  	s3 =	sadd.s32 $0x88, s3;
	s6 =	simm.s32 @!p1 $0x1082;
	[sflag:s4] =	ssyncset.s32 $0xFFFFF086  }
0x25: {  	[simem:s6], [sflag:s4] =	dma.local [hbm:s3], $0xF7A  }
0x26: {  	[smem:$0x3F9D] =	sst s1;
	(tag) =	ssettag s2;
	_ =	strace s9  }
0x27: {  	s1 =	sld [smem:$0x3FAD]  }
0x28: {  	s2 =	sld [smem:$0x3FAE]  }
0x29: {  	s4 =	sld [smem:$0x3FB0]  }
0x2a: {  	p0 =	seq.s32 s5, $0x0;
	s5 =	sld [smem:$0x3FB1]  }
0x2b: {  	s6 =	sld [smem:$0x3FB2]  }
0x2c: {  	s7 =	sld [smem:$0x3FB3]  }
0x2d: {  	s3 =	simm.s32 $0x108;
	s8 =	sld [smem:$0x3FB4]  }
0x2e: {  	s3 =	simm.s32 @!p0 $0x1082;
	s9 =	sld [smem:$0x3FB5]  }
0x2f: {  	lr =	sadd.s32 s0, s3;
	s0 =	sld [smem:$0x3FAC]  }
0x30: {  	s3 =	sld [smem:$0x3FAF]  }
0x31: {  	[smem:$0x3FB8] =	sst s10  }
0x32: {  	s10 =	sld [smem:$0x3FB6];
	_ =	sdelay $0x3  }
0x33: {  	p0 =	seq.s32 s10, $0x1;
	s10 =	sld [smem:$0x3FB8];
	_ =	sdelay $0x3  }
0x34: {  	[smem:$0x3FB8] =	sst s10  }
0x35: {  	s10 =	sld [smem:$0x3FB7];
	_ =	sdelay $0x3  }
0x36: {  	p1 =	seq.s32 s10, $0x1;
	s10 =	sld [smem:$0x3FB8];
	_ =	sdelay $0x3  }
0x37: {  	[smem:$0x3FB8] =	sst s10  }
0x38: {  	s10 =	sld [smem:$0x3FB9]  }
0x39: {  	_ = 	snop;
	(pc) =	sbr.ind lr, $3  }
0x3a: {  	_ = 	snop  }
0x3b: {  	_ = 	snop  }
0x3c: {  	p2 =	seq.s32 s10, $0x1;
	s10 =	sld [smem:$0x3FB8]  }
0x3d: {  	_ =	shalt  }
0x3e: {  	_ =	shalt  }
0x3f: {  	_ =	shalt  }
0x40: {  	_ =	shalt  }
0x41: {  	_ =	shalt  }
0x42: {  	_ =	shalt  }
0x43: {  	_ =	shalt  }
0x44: {  	_ =	shalt  }
0x45: {  	_ =	shalt  }
0x46: {  	_ =	shalt  }
0x47: {  	_ =	shalt  }
0x48: {  	_ =	shalt  }
0x49: {  	_ =	shalt  }
0x4a: {  	_ =	shalt  }
0x4b: {  	_ =	shalt  }
0x4c: {  	_ =	shalt  }
0x4d: {  	_ =	shalt  }
0x4e: {  	_ =	shalt  }
0x4f: {  	_ =	shalt  }
0x50: {  	_ =	shalt  }
0x51: {  	_ =	shalt  }
0x52: {  	_ =	shalt  }
0x53: {  	_ =	shalt  }
0x54: {  	_ =	shalt  }
0x55: {  	_ =	shalt  }
0x56: {  	_ =	shalt  }
0x57: {  	_ =	shalt  }
0x58: {  	_ =	shalt  }
0x59: {  	_ =	shalt  }
0x5a: {  	_ =	shalt  }
0x5b: {  	_ =	shalt  }
0x5c: {  	_ =	shalt  }
0x5d: {  	_ =	shalt  }
0x5e: {  	_ =	shalt  }
0x5f: {  	_ =	shalt  }
0x60: {  	_ =	shalt  }
0x61: {  	_ =	shalt  }
0x62: {  	_ =	shalt  }
0x63: {  	_ =	shalt  }
0x64: {  	_ =	shalt  }
0x65: {  	_ =	shalt  }
0x66: {  	_ =	shalt  }
0x67: {  	_ =	shalt  }
0x68: {  	_ =	shalt  }
0x69: {  	_ =	shalt  }
0x6a: {  	_ =	shalt  }
0x6b: {  	_ =	shalt  }
0x6c: {  	_ =	shalt  }
0x6d: {  	_ =	shalt  }
0x6e: {  	_ =	shalt  }
0x6f: {  	_ =	shalt  }
0x70: {  	_ =	shalt  }
0x71: {  	_ =	shalt  }
0x72: {  	_ =	shalt  }
0x73: {  	_ =	shalt  }
0x74: {  	_ =	shalt  }
0x75: {  	_ =	shalt  }
0x76: {  	_ =	shalt  }
0x77: {  	_ =	shalt  }
0x78: {  	_ =	shalt  }
0x79: {  	_ =	shalt  }
0x7a: {  	_ =	shalt  }
0x7b: {  	_ =	shalt  }
0x7c: {  	_ =	shalt  }
0x7d: {  	_ =	shalt  }
0x7e: {  	_ =	shalt  }
0x7f: {  	_ =	shalt  }
0x80: {  	_ =	shalt  }
0x81: {  	_ =	shalt  }
0x82: {  	_ =	shalt  }
0x83: {  	_ =	shalt  }
0x84: {  	_ =	shalt  }
0x85: {  	_ =	shalt  }
0x86: {  	_ =	shalt  }
0x87: {  	_ =	shalt  }
.Lfunc_end0:
.L_simem_size_0:
called_computation.2_lowered:
.L_overlay_start_0:
0x88: {  	s2 =	sld [smem:$0x3FD9]  }
0x89: {  	s3 =	sld [smem:$0x3FFE];
	_ =	sdelay $0x1  }
0x8a: {  	s1 =	srdreg.scid  }
0x8b: {  	s0 =	sand.u32 $0x1, s1  }
0x8c: {  	s15 =	sshll.u32 s0, $0xA;
	s2 =	sadd.s32 s3, s2  }
0x8d: {  	s2 =	sadd.s32 s2, s15  }
0x8e: {  	[smem:$0x3FC4] =	sst s2  }
0x8f: {  	_ = 	snop  }
0x90: {  	s2 =	sld [smem:$0x3FD0];
	_ =	sdelay $0x2  }
0x91: {  	s16 =	simm.s32 $0xB;
	s4 =	simm.s32 $0x10  }
0x92: {  	[smem:s4], [sflag:s16] =	dma.local [hbm:s2], $0x1  }
0x93: {  	_ =	swait.eq [sflag:s16], $0x1  }
0x94: {  	[sflag:s16] =	ssyncset.done $0x0  }
0x95: {  	[sflag:s16] =	ssyncadd.s32 $0xFFFFFFFF  }
0x96: {  	s17 =	sld [smem:$0x12];
	(tm) =	ssettm $0x1  }
0x97: {  	s18 =	sld [smem:$0x3FFB];
	_ =	sdelay $0x3  }
0x98: {  	_ =	strace s18  }
0x99: {  	s2 =	sld [smem:$0x3FFC];
	_ =	sdelay $0x3  }
0x9a: {  	_ =	strace s2  }
0x9b: {  	s2 =	sld [smem:$0x3FFD];
	_ =	sdelay $0x3  }
0x9c: {  	_ =	strace s2  }
0x9d: {  	_ =	strace $0x8FFFFFFF  }
0x9e: {  	s19 =	sld [smem:$0x3FDB];
	_ =	sdelay $0x1  }
0x9f: {  	s20 =	simm.s32 $_scs_section_size  }
0xa0: {  	s5 =	simm.s32 $_size__tile_overlayer_lowered;
	s6 =	simm.s32 $_tile_overlayer_lowered  }
0xa1: {  	s7 =	simm.s32 $0x1BFF;
	s21 =	sshll.u32 s6, $0x1;
	s4 =	sadd.s32 s20, s19  }
0xa2: {  	s22 =	simm.s32 $0x0;
	s5 =	sshll.u32 s5, $0x1;
	s6 =	sadd.s32 s21, s4  }
0xa3: {  	[timem:s22], [sflag:s7] =	dma.local [hbm:s6], s5  }
0xa4: {  	_ =	swait.ge [sflag:s7], s5  }
0xa5: {  	s5 =	ssub.s32 $0x0, s5;
	[sflag:s7] =	ssyncset.done $0x0  }
0xa6: {  	[sflag:s7] =	ssyncadd.s32 s5;
	_ =	sdelay $0x1  }
0xa7: {  	s23 =	simm.s32 $0x1B8B  }
0xa8: {  	_ =	swait.ge [sflag:s23], $0x1  }
0xa9: {  	[sflag:s23] =	ssyncset.done $0x0  }
0xaa: {  	[sflag:s23] =	ssyncadd.s32 $0xFFFFFFFF  }
0xab: {  	s5 =	sld [smem:$0x0]  }
0xac: {  	s6 =	sand.u32 $0xFFFFFFFE, s1  }
0xad: {  	p0 =	sne.s32 s1, s6  }
0xae: {  	s6 =	sshll.u32 @p0 s6, $0xE  }
0xaf: {  	s6 =	sadd.s32 @p0 $0x11B8D, s6;
	s7 =	sshll.u32 @p0 s5, $0x11  }
0xb0: {  	s6 =	sor.u32 @p0 s7, s6  }
0xb1: {  	[sflag:s6] =	ssyncadd.remote.s32 @p0 $0x1;
	_ =	sdelay $0x1  }
0xb2: {  	s6 =	simm.s32 @p0 $0x1B8D  }
0xb3: {  	_ =	swait.eq @p0 [sflag:s6], $0x1  }
0xb4: {  	[sflag:s6] =	ssyncadd.s32 @p0 $0xFFFFFFFF  }
0xb5: {  	s7 =	sshll.u32 @!p0 s1, $0xE  }
0xb6: {  	s7 =	sor.u32 @!p0 $0x4000, s7;
	s6 =	simm.s32 @!p0 $0x1B8D  }
0xb7: {  	s5 =	sshll.u32 @!p0 s5, $0x11;
	s7 =	sadd.s32 @!p0 $0x11B8D, s7;
	_ =	swait.eq @!p0 [sflag:s6], $0x1  }
0xb8: {  	s5 =	sor.u32 @!p0 s5, s7;
	[sflag:s6] =	ssyncadd.s32 @!p0 $0xFFFFFFFF  }
0xb9: {  	s25 =	simm.s32 $0x1B8E;
	s24 =	sld [smem:$0x3FFE];
	[sflag:s5] =	ssyncadd.remote.s32 @!p0 $0x1  }
0xba: {  	s26 =	simm.s32 $execute0_lowered;
	[smem:$0x3FD2] =	sst s25  }
0xbb: {  	s6 =	sshll.u32 s26, $0x1;
	_ =	strace $0x8000004C;
	[dreg:$0x1] =	wrdreg $0xFFFFFFFF  }
0xbc: {  	s28 =	simm.s32 $_size_execute0_lowered;
	s4 =	sadd.s32 s4, s6;
	[dreg:$0x0] =	wrdreg $0x0  }
0xbd: {  	s6 =	sshll.u32 s28, $0x1;
	[dreg:$0x2] =	wrdreg s4  }
0xbe: {  	[dreg:$0x3] =	wrdreg s6  }
0xbf: {  	[dreg:$0x4] =	wrdreg $0xC0  }
0xc0: {  	_ =	task [dreg:s22], $0x5FFFF  }
0xc1: {  	[dreg:$0x1] =	wrdreg $0xFFFFFFFF  }
0xc2: {  	[dreg:$0x0] =	wrdreg $0x60  }
0xc3: {  	[dreg:$0x2] =	wrdreg s17  }
0xc4: {  	[dreg:$0x3] =	wrdreg s24  }
0xc5: {  	[dreg:$0x4] =	wrdreg $0xA  }
0xc6: {  	_ =	task.clear_ibuf [dreg:s22], $0x5FFFF;
	_ =	strace $0x9000004C  }
0xc7: {  	s29 =	simm.s32 $0xA;
	_ =	strace $0x8000004E  }
0xc8: {  	_ =	swait.ge [sflag:s29], $0x1  }
0xc9: {  	[sflag:s29] =	ssyncadd.s32 $0xFFFFFFFF  }
0xca: {  	_ =	strace $0x9000004E  }
0xcb: {  	_ =	sfence  }
0xcc: {  	s30 =	sld [smem:$0x0];
	_ =	sdelay $0x2  }
0xcd: {  	s31 =	sshll.u32 s1, $0xD;
	s1 =	sshrl.u32 s1, $0x2  }
0xce: {  	s4 =	sand.u32 $0x4000, s31;
	s1 =	sadd.s32 s1, s30  }
0xcf: {  	s0 =	sor.u32 s4, s0;
	s1 =	sshll.u32 s1, $0x11  }
0xd0: {  	s0 =	sor.u32 s1, s0  }
0xd1: {  	s0 =	sadd.s32 $0x8F2B, s0  }
0xd2: {  	[sflag:s0] =	ssyncadd.remote.s32 $0x1  }
0xd3: {  	_ =	sfence.sel $0xFFFF  }
0xd4: {  	[dreg:$0x0] =	wrdreg $0xFFFFFFFF;
	(pc) =	sbr.abs _section_cstart, $3  }
0xd5: {  	[dreg:$0x1] =	wrdreg $0xFFFFFFFF  }
0xd6: {  	_ =	task.clear_ibuf [dreg:s22], $0x2FFFF;
	_ =	strace $0x9FFFFFFF  }
0xd7: {  	(tm) =	ssettm $0x7FFFFFFF  }
tec
execute0_lowered:
.L_overlay_start_1:
0x0: {  	(tag) =	ssettag $0x1  }
0x1: {  	s4 =	rddreg [dreg:$0x0]  }
0x2: {  	s5 =	rddreg [dreg:$0x1]  }
0x3: {  	s0 =	rddreg [dreg:$0x2];
	s3 =	srdreg.scid  }
0x4: {  	s1 =	stileid.u32;
	s2 =	simm.s32 $0x0;
	s10 =	simm.s32 $0x2C00  }
0x5: {  	s11 =	simm.s32 $0x800;
	s12 =	simm.s32 $0x3000;
	s13 =	simm.s32 $0xC00  }
0x6: {  	s14 =	simm.s32 $0x3400;
	s15 =	simm.s32 $0x3800;
	s16 =	simm.s32 $0x1  }
0x7: {  	s17 =	simm.s32 $0x2;
	s18 =	simm.s32 $0x3;
	s19 =	simm.s32 $0x4  }
0x8: {  	s20 =	simm.s32 $0x5;
	s21 =	simm.s32 $0x3C00;
	s22 =	simm.s32 $0x0  }
0x9: {  	s3 =	sand.u32 $0x1, s3;
	s6 =	sshll.u32 s1, $0x1;
	[smem:$0x7FF] =	sst s2  }
0xa: {  	s6 =	sor.u32 s3, s6;
	_ =	strace $0x8000004D;
	s7 =	ssub.s32 $0x2, s3  }
0xb: {  	s8 =	smul.u32 $0x500, s6;
	s6 =	sshll.u32 s6, $0x1;
	s9 =	sshrl.u32 s7, $0x1  }
0xc: {  	s3 =	sadd.s32 $0x1EC00, s5;
	s5 =	sadd.s32 s6, s5;
	s31 =	ssub.s32 s7, s9  }
0xd: {  	s7 =	simm.s32 $0x6;
	s9 =	simm.s32 $0x2800;
	s4 =	sadd.s32 s4, s8  }
0xe: {  	s5 =	sadd.s32 $0x3D600, s5;
	s6 =	smax.u32 s31, $0x1;
	s8 =	simm.s32 $0x400  }
.LBB2_1:
0xf: {  	[tilespmem:s2], [sflag:$0x6] =	stream.linear.gather [hbm4b:s4+s2], $0x2800, $0x38;
	[tilespmem:$0x3C10] =	vst v63  }
0x10: {  	_ =	swait.ge [sflag:s7], $0x2800  }
0x11: {  	[sflag:s7] =	ssyncset.done $0x0  }
0x12: {  	[sflag:s7] =	ssyncadd.s32 $0xFFFFD800  }
0x13: {  	[tilespmem:s9], [sflag:$0x1] =	stream.indirect.gather [hbm4b:s3+s8], $0x1, s2, s8, $0xb8;
	[tilespmem:$0x3C10] =	vst v63  }
0x14: {  	_ = 	snop  }
0x15: {  	[tilespmem:s10], [sflag:$0x2] =	stream.indirect.gather [hbm4b:s3+s8], $0x1, s8, s8, $0xb8;
	[tilespmem:$0x3C10] =	vst v63  }
0x16: {  	_ = 	snop  }
0x17: {  	[tilespmem:s12], [sflag:$0x3] =	stream.indirect.gather [hbm4b:s3+s8], $0x1, s11, s8, $0xb8;
	[tilespmem:$0x3C10] =	vst v63  }
0x18: {  	v0 =	vimm.f32 $0.0e+00;
	p1 =	por $0x1, $0x1;
	s23 =	simm.s32 $0x1000  }
0x19: {  	v1 =	vimm.f32 $0.0e+00;
	v2 =	vimm.f32 $0.0e+00;
	v3 =	vimm.f32 $0.0e+00;
	[tilespmem:s14], [sflag:$0x4] =	stream.indirect.gather [hbm4b:s3+s8], $0x1, s13, s8, $0xb8;
	[tilespmem:$0x3C10] =	vst v63  }
.LBB2_2:
0x1a: {  	[tilespmem:s15], [sflag:$0x5] =	stream.indirect.gather [hbm4b:s3+s8], $0x1, s23, s8, $0xb8;
	[tilespmem:$0x3C10] =	vst v63  }
0x1b: {  	_ =	swait.ge [sflag:s16], $0x400  }
0x1c: {  	[sflag:s16] =	ssyncset.done $0x0  }
0x1d: {  	s24 =	simm.s32 $0x0;
	[sflag:s16] =	ssyncadd.s32 $0xFFFFFC00  }
0x1e: {  	v7 =	vld [tilespmem:s24+$0x2830]  }
0x1f: {  	v8 =	vld [tilespmem:s24+$0x2800]  }
0x20: {  	v6 =	vld [tilespmem:s24+$0x2810]  }
0x21: {  	p0 =	por p1, p1;
	s23 =	simm.s32 $0x100;
	v9 =	vld [tilespmem:s24+$0x2820]  }
.LBB2_3:
0x22: {  	p1 =	sne.s32 s23, $0xF00  }
.Ltmp0:
0x23: {  	s24 =	sshra.s32 s23, $0x2;
	s23 =	sadd.s32 $0x100, s23;
	v0 =	vadd.f32 v7, v0;
	(pc) =	sbr.rel @p1 .LBB2_3-.Ltmp0, $4  }
0x24: {  	v7 =	vld [tilespmem:s24+$0x2830];
	v3 =	vadd.f32 v8, v3  }
0x25: {  	v8 =	vld [tilespmem:s24+$0x2800];
	v2 =	vadd.f32 v6, v2  }
0x26: {  	v6 =	vld [tilespmem:s24+$0x2810];
	v1 =	vadd.f32 v9, v1  }
0x27: {  	v9 =	vld [tilespmem:s24+$0x2820]  }
0x28: {  	s23 =	simm.s32 @p0 $0x400;
	s24 =	simm.s32 @p0 $0x1400;
	s25 =	simm.s32 @p0 $0x2800  }
0x29: {  	[tilespmem:s25], [sflag:$0x1] =	stream.indirect.gather @p0 [hbm4b:s3+s23], $0x1, s24, s23, $0xb8;
	[tilespmem:$0x3C10] =	vst v63  }
0x2a: {  	_ =	swait.ge [sflag:s17], $0x400  }
0x2b: {  	[sflag:s17] =	ssyncset.done $0x0  }
0x2c: {  	s31 =	simm.s32 $0x0;
	[sflag:s17] =	ssyncadd.s32 $0xFFFFFC00  }
0x2d: {  	v4 =	vld [tilespmem:s31+$0x2C30]  }
0x2e: {  	v5 =	vld [tilespmem:s31+$0x2C00]  }
0x2f: {  	v0 =	vadd.f32 v7, v0;
	v3 =	vadd.f32 v8, v3;
	v8 =	vld [tilespmem:s31+$0x2C10]  }
0x30: {  	s23 =	simm.s32 $0x100;
	v2 =	vadd.f32 v6, v2;
	v1 =	vadd.f32 v9, v1;
	v10 =	vld [tilespmem:s31+$0x2C20]  }
.LBB2_5:
0x31: {  	p1 =	sne.s32 s23, $0xF00  }
.Ltmp1:
0x32: {  	s24 =	sshra.s32 s23, $0x2;
	s23 =	sadd.s32 $0x100, s23;
	v0 =	vadd.f32 v4, v0;
	(pc) =	sbr.rel @p1 .LBB2_5-.Ltmp1, $4  }
0x33: {  	v4 =	vld [tilespmem:s24+$0x2C30];
	v3 =	vadd.f32 v5, v3  }
0x34: {  	v5 =	vld [tilespmem:s24+$0x2C00];
	v2 =	vadd.f32 v8, v2  }
0x35: {  	v8 =	vld [tilespmem:s24+$0x2C10];
	v1 =	vadd.f32 v10, v1  }
0x36: {  	v10 =	vld [tilespmem:s24+$0x2C20]  }
0x37: {  	s23 =	simm.s32 @p0 $0x400;
	s24 =	simm.s32 @p0 $0x1800;
	s25 =	simm.s32 @p0 $0x2C00  }
0x38: {  	[tilespmem:s25], [sflag:$0x2] =	stream.indirect.gather @p0 [hbm4b:s3+s23], $0x1, s24, s23, $0xb8;
	[tilespmem:$0x3C10] =	vst v63  }
0x39: {  	_ =	swait.ge [sflag:s18], $0x400  }
0x3a: {  	[sflag:s18] =	ssyncset.done $0x0  }
0x3b: {  	s31 =	simm.s32 $0x0;
	[sflag:s18] =	ssyncadd.s32 $0xFFFFFC00  }
0x3c: {  	v6 =	vld [tilespmem:s31+$0x3030]  }
0x3d: {  	v7 =	vld [tilespmem:s31+$0x3000]  }
0x3e: {  	v0 =	vadd.f32 v4, v0;
	v3 =	vadd.f32 v5, v3;
	v9 =	vld [tilespmem:s31+$0x3010]  }
0x3f: {  	s23 =	simm.s32 $0x100;
	v2 =	vadd.f32 v8, v2;
	v1 =	vadd.f32 v10, v1;
	v8 =	vld [tilespmem:s31+$0x3020]  }
.LBB2_7:
0x40: {  	p1 =	sne.s32 s23, $0xF00  }
.Ltmp2:
0x41: {  	s24 =	sshra.s32 s23, $0x2;
	s23 =	sadd.s32 $0x100, s23;
	v0 =	vadd.f32 v6, v0;
	(pc) =	sbr.rel @p1 .LBB2_7-.Ltmp2, $4  }
0x42: {  	v6 =	vld [tilespmem:s24+$0x3030];
	v3 =	vadd.f32 v7, v3  }
0x43: {  	v7 =	vld [tilespmem:s24+$0x3000];
	v2 =	vadd.f32 v9, v2  }
0x44: {  	v9 =	vld [tilespmem:s24+$0x3010];
	v1 =	vadd.f32 v8, v1  }
0x45: {  	v8 =	vld [tilespmem:s24+$0x3020]  }
0x46: {  	s23 =	simm.s32 @p0 $0x400;
	s24 =	simm.s32 @p0 $0x1C00;
	s25 =	simm.s32 @p0 $0x3000  }
0x47: {  	[tilespmem:s25], [sflag:$0x3] =	stream.indirect.gather @p0 [hbm4b:s3+s23], $0x1, s24, s23, $0xb8;
	[tilespmem:$0x3C10] =	vst v63  }
0x48: {  	_ =	swait.ge [sflag:s19], $0x400  }
0x49: {  	[sflag:s19] =	ssyncset.done $0x0  }
0x4a: {  	s31 =	simm.s32 $0x0;
	[sflag:s19] =	ssyncadd.s32 $0xFFFFFC00  }
0x4b: {  	v4 =	vld [tilespmem:s31+$0x3430]  }
0x4c: {  	v5 =	vld [tilespmem:s31+$0x3400]  }
0x4d: {  	v0 =	vadd.f32 v6, v0;
	v3 =	vadd.f32 v7, v3;
	v6 =	vld [tilespmem:s31+$0x3410]  }
0x4e: {  	s23 =	simm.s32 $0x100;
	v2 =	vadd.f32 v9, v2;
	v1 =	vadd.f32 v8, v1;
	v7 =	vld [tilespmem:s31+$0x3420]  }
.LBB2_9:
0x4f: {  	p1 =	sne.s32 s23, $0xF00  }
.Ltmp3:
0x50: {  	s24 =	sshra.s32 s23, $0x2;
	s23 =	sadd.s32 $0x100, s23;
	v0 =	vadd.f32 v4, v0;
	(pc) =	sbr.rel @p1 .LBB2_9-.Ltmp3, $4  }
0x51: {  	v4 =	vld [tilespmem:s24+$0x3430];
	v3 =	vadd.f32 v5, v3  }
0x52: {  	v5 =	vld [tilespmem:s24+$0x3400];
	v2 =	vadd.f32 v6, v2  }
0x53: {  	v6 =	vld [tilespmem:s24+$0x3410];
	v1 =	vadd.f32 v7, v1  }
0x54: {  	v7 =	vld [tilespmem:s24+$0x3420]  }
0x55: {  	s23 =	simm.s32 @p0 $0x400;
	s24 =	simm.s32 @p0 $0x2000;
	s25 =	simm.s32 @p0 $0x3400  }
0x56: {  	[tilespmem:s25], [sflag:$0x4] =	stream.indirect.gather @p0 [hbm4b:s3+s23], $0x1, s24, s23, $0xb8;
	[tilespmem:$0x3C10] =	vst v63  }
0x57: {  	_ =	swait.ge [sflag:s20], $0x400  }
0x58: {  	[sflag:s20] =	ssyncset.done $0x0  }
0x59: {  	s31 =	simm.s32 $0x0;
	[sflag:s20] =	ssyncadd.s32 $0xFFFFFC00  }
0x5a: {  	v8 =	vld [tilespmem:s31+$0x3830]  }
0x5b: {  	v9 =	vld [tilespmem:s31+$0x3800]  }
0x5c: {  	v0 =	vadd.f32 v4, v0;
	v3 =	vadd.f32 v5, v3;
	v4 =	vld [tilespmem:s31+$0x3810]  }
0x5d: {  	s23 =	simm.s32 $0x100;
	v2 =	vadd.f32 v6, v2;
	v1 =	vadd.f32 v7, v1;
	v5 =	vld [tilespmem:s31+$0x3820]  }
.LBB2_11:
0x5e: {  	p1 =	sne.s32 s23, $0xF00  }
.Ltmp4:
0x5f: {  	s24 =	sshra.s32 s23, $0x2;
	s23 =	sadd.s32 $0x100, s23;
	v0 =	vadd.f32 v8, v0;
	(pc) =	sbr.rel @p1 .LBB2_11-.Ltmp4, $4  }
0x60: {  	v8 =	vld [tilespmem:s24+$0x3830];
	v3 =	vadd.f32 v9, v3  }
0x61: {  	v9 =	vld [tilespmem:s24+$0x3800];
	v2 =	vadd.f32 v4, v2  }
0x62: {  	v4 =	vld [tilespmem:s24+$0x3810];
	v1 =	vadd.f32 v5, v1  }
0x63: {  	v5 =	vld [tilespmem:s24+$0x3820]  }
.Ltmp5:
0x64: {  	_ = 	snop;
	(pc) =	sbr.rel @p0 .LBB2_2-.Ltmp5, $3  }
0x65: {  	_ =	sdelay $0x1  }
0x66: {  	v0 =	vadd.f32 v8, v0;
	v3 =	vadd.f32 v9, v3  }
0x67: {  	p1 =	por $0x0, $0x0;
	s23 =	simm.s32 $0x2400;
	v2 =	vadd.f32 v4, v2;
	v1 =	vadd.f32 v5, v1  }
0x68: {  	_ = 	snop  }
0x69: {  	v2 =	vadd.f32 v2, v3;
	v0 =	vadd.f32 v0, v1;
	_ =	sdelay $0x1  }
0x6a: {  	s22 =	sadd.s32 $0x1, s22;
	v0 =	vadd.f32 v0, v2  }
0x6b: {  	p0 =	sne.s32 s22, s6  }
.Ltmp6:
0x6c: {  	[tilespmem:$0x3C00] =	vst v0;
	(pc) =	sbr.rel @p0 .LBB2_1-.Ltmp6, $4  }
0x6d: {  	[hbm4b:s5+s2] =	stream.linear.scatter [tilespmem:s21], [sflag:$0x6], $0x10, $0x38;
	[tilespmem:$0x3C10] =	vst v63  }
0x6e: {  	_ =	swait.ge [sflag:s7], $0x10  }
0x6f: {  	[sflag:s7] =	ssyncset.done $0x0  }
0x70: {  	[sflag:s7] =	ssyncadd.s32 $0xFFFFFFF0  }
0x71: {  	_ =	sfence.sel $0x180000  }
0x72: {  	[bflag:$0x0] =	sbarrier.arrive $0xFFFF  }
0x73: {  	p0 =	sne.s32 s1, $0x0;
	_ =	strace $0x9000004D  }
0x74: {  	s0 =	sadd.s32 @!p0 $0x100000, s0;
	[bflag:$0x2] =	sbarrier.arrive $0xFFFF  }
0x75: {  	[sflag:s0] =	ssyncadd.tile.s32 @!p0 $0x1;
	_ =	shalt  }
.Lfunc_end2:
_tile_overlayer_lowered:
.L_overlay_start_2:
0x76: {  	(tag) =	ssettag $0x2  }
0x77: {  	s0 =	rddreg [dreg:$0x0];
	s2 =	stileid.u32  }
0x78: {  	s1 =	rddreg [dreg:$0x1];
	p0 =	sne.s32 s2, $0x0  }
0x79: {  	s3 =	rddreg [dreg:$0x2];
	[bflag:$0x3] =	sbarrier.arrive $0xFFFF;
	s2 =	simm.s32 @!p0 $0x1C06  }
0x7a: {  	[timem:s3], [sflag:s2] =	dma.local @!p0 [hbm:s0], s1  }
0x7b: {  	s0 =	simm.s32 @!p0 $0x6  }
0x7c: {  	_ =	swait.ge @!p0 [sflag:s0], s1  }
0x7d: {  	s1 =	ssub.s32 @!p0 $0x0, s1;
	[sflag:s0] =	ssyncset.done @!p0 $0x0  }
0x7e: {  	[sflag:s0] =	ssyncadd.s32 @!p0 s1  }
0x7f: {  	[bflag:$0x3] =	sbarrier.arrive $0xFFFF  }
0x80: {  	_ =	shalt  }

// kernel: kernel.5.cloned.1.call-start
scs
__scs_entry_jumppad:
0x0: {  	(pc) =	sbr.rel $0x88, $3  }
0x1: {  	(tag) =	ssettag $0x0;
	lr =	simm.s32 $0x1  }
0x2: {  	[smem:$0x3F9D] =	sst lr;
	_ =	strace $0xD0000000  }
0x3: {  	_ = 	snop  }
0x4: {  	_ = 	snop  }
0x5: {  	_ = 	snop  }
0x6: {  	_ = 	snop  }
0x7: {  	_ = 	snop  }
__scs_overlays_trampoline_lowered:
0x8: {  	[smem:$0x3FAC] =	sst s0  }
0x9: {  	[smem:$0x3FAD] =	sst s1  }
0xa: {  	[smem:$0x3FAE] =	sst s2  }
0xb: {  	[smem:$0x3FAF] =	sst s3  }
0xc: {  	[smem:$0x3FB0] =	sst s4  }
0xd: {  	[smem:$0x3FB1] =	sst s5  }
0xe: {  	[smem:$0x3FB2] =	sst s6  }
0xf: {  	[smem:$0x3FB3] =	sst s7  }
0x10: {  	[smem:$0x3FB4] =	sst s8  }
0x11: {  	[smem:$0x3FB5] =	sst s9;
	s0 =	simm.s32 @!p0 $0x0  }
0x12: {  	s1 =	sld [smem:$0x3F9B];
	s0 =	simm.s32 @p0 $0x1  }
0x13: {  	[smem:$0x3FB6] =	sst s0;
	s0 =	simm.s32 @!p1 $0x0  }
0x14: {  	s2 =	sld [smem:$0x3F9A];
	s0 =	simm.s32 @p1 $0x1  }
0x15: {  	[smem:$0x3FB7] =	sst s0;
	s0 =	simm.s32 @!p2 $0x0  }
0x16: {  	s3 =	sld [smem:$0x3FDB];
	s0 =	simm.s32 @p2 $0x1  }
0x17: {  	s4 =	simm.s32 $0x1BF5;
	[smem:$0x3FB9] =	sst s0  }
0x18: {  	s0 =	sld [smem:$0x3F9C];
	_ =	swait.ge [sflag:s4], $0x0  }
0x19: {  	s7 =	sld [smem:$0x3F9D]  }
0x1a: {  	s8 =	sadd.s32 $0xFFFFE003, lr  }
0x1b: {  	s9 =	sadd.s32 $0xFFFFFEF7, lr;
	s5 =	simm.s32 $0xFFFFFFFF;
	p2 =	slt.u32 s8, $0xFFFFF086  }
0x1c: {  	p1 =	slt.u32 s9, $0xF7A;
	s5 =	simm.s32 @!p2 $0x0  }
0x1d: {  	s5 =	simm.s32 @p1 $0x1;
	p0 =	seq.s32 s7, s2  }
0x1e: {  	s7 =	smul.u32 @!p0 $0xF7A, s2;
	p2 =	seq.s32 @!p0 s5, $0x0  }
0x1f: {  	s9 =	smul.u32 $0xF7A, s1;
	s8 =	simm.s32 @!p0 $0x1BF5;
	p2 =	por !p2, p0  }
0x20: {  	[sflag:s8] =	ssyncset.s32 @!p0 $0xFFFFF086;
	s6 =	sadd.s32 @!p0 s3, s7;
	s7 =	simm.s32 @!p0 $0x108  }
0x21: {  	s3 =	sadd.s32 s3, s9;
	s6 =	sadd.s32 @!p0 $0x88, s6;
	s7 =	simm.s32 @p2 $0x1082  }
0x22: {  	[simem:s7], [sflag:s8] =	dma.local @!p0 [hbm:s6], $0xF7A  }
0x23: {  	s9 =	sor.u32 $0xD0000000, s2;
	s6 =	simm.s32 $0x108;
	_ =	swait.ge @!p0 [sflag:s8], $0x0  }
0x24: {  	s3 =	sadd.s32 $0x88, s3;
	s6 =	simm.s32 @!p1 $0x1082;
	[sflag:s4] =	ssyncset.s32 $0xFFFFF086  }
0x25: {  	[simem:s6], [sflag:s4] =	dma.local [hbm:s3], $0xF7A  }
0x26: {  	[smem:$0x3F9D] =	sst s1;
	(tag) =	ssettag s2;
	_ =	strace s9  }
0x27: {  	s1 =	sld [smem:$0x3FAD]  }
0x28: {  	s2 =	sld [smem:$0x3FAE]  }
0x29: {  	s4 =	sld [smem:$0x3FB0]  }
0x2a: {  	p0 =	seq.s32 s5, $0x0;
	s5 =	sld [smem:$0x3FB1]  }
0x2b: {  	s6 =	sld [smem:$0x3FB2]  }
0x2c: {  	s7 =	sld [smem:$0x3FB3]  }
0x2d: {  	s3 =	simm.s32 $0x108;
	s8 =	sld [smem:$0x3FB4]  }
0x2e: {  	s3 =	simm.s32 @!p0 $0x1082;
	s9 =	sld [smem:$0x3FB5]  }
0x2f: {  	lr =	sadd.s32 s0, s3;
	s0 =	sld [smem:$0x3FAC]  }
0x30: {  	s3 =	sld [smem:$0x3FAF]  }
0x31: {  	[smem:$0x3FB8] =	sst s10  }
0x32: {  	s10 =	sld [smem:$0x3FB6];
	_ =	sdelay $0x3  }
0x33: {  	p0 =	seq.s32 s10, $0x1;
	s10 =	sld [smem:$0x3FB8];
	_ =	sdelay $0x3  }
0x34: {  	[smem:$0x3FB8] =	sst s10  }
0x35: {  	s10 =	sld [smem:$0x3FB7];
	_ =	sdelay $0x3  }
0x36: {  	p1 =	seq.s32 s10, $0x1;
	s10 =	sld [smem:$0x3FB8];
	_ =	sdelay $0x3  }
0x37: {  	[smem:$0x3FB8] =	sst s10  }
0x38: {  	s10 =	sld [smem:$0x3FB9]  }
0x39: {  	_ = 	snop;
	(pc) =	sbr.ind lr, $3  }
0x3a: {  	_ = 	snop  }
0x3b: {  	_ = 	snop  }
0x3c: {  	p2 =	seq.s32 s10, $0x1;
	s10 =	sld [smem:$0x3FB8]  }
0x3d: {  	_ =	shalt  }
0x3e: {  	_ =	shalt  }
0x3f: {  	_ =	shalt  }
0x40: {  	_ =	shalt  }
0x41: {  	_ =	shalt  }
0x42: {  	_ =	shalt  }
0x43: {  	_ =	shalt  }
0x44: {  	_ =	shalt  }
0x45: {  	_ =	shalt  }
0x46: {  	_ =	shalt  }
0x47: {  	_ =	shalt  }
0x48: {  	_ =	shalt  }
0x49: {  	_ =	shalt  }
0x4a: {  	_ =	shalt  }
0x4b: {  	_ =	shalt  }
0x4c: {  	_ =	shalt  }
0x4d: {  	_ =	shalt  }
0x4e: {  	_ =	shalt  }
0x4f: {  	_ =	shalt  }
0x50: {  	_ =	shalt  }
0x51: {  	_ =	shalt  }
0x52: {  	_ =	shalt  }
0x53: {  	_ =	shalt  }
0x54: {  	_ =	shalt  }
0x55: {  	_ =	shalt  }
0x56: {  	_ =	shalt  }
0x57: {  	_ =	shalt  }
0x58: {  	_ =	shalt  }
0x59: {  	_ =	shalt  }
0x5a: {  	_ =	shalt  }
0x5b: {  	_ =	shalt  }
0x5c: {  	_ =	shalt  }
0x5d: {  	_ =	shalt  }
0x5e: {  	_ =	shalt  }
0x5f: {  	_ =	shalt  }
0x60: {  	_ =	shalt  }
0x61: {  	_ =	shalt  }
0x62: {  	_ =	shalt  }
0x63: {  	_ =	shalt  }
0x64: {  	_ =	shalt  }
0x65: {  	_ =	shalt  }
0x66: {  	_ =	shalt  }
0x67: {  	_ =	shalt  }
0x68: {  	_ =	shalt  }
0x69: {  	_ =	shalt  }
0x6a: {  	_ =	shalt  }
0x6b: {  	_ =	shalt  }
0x6c: {  	_ =	shalt  }
0x6d: {  	_ =	shalt  }
0x6e: {  	_ =	shalt  }
0x6f: {  	_ =	shalt  }
0x70: {  	_ =	shalt  }
0x71: {  	_ =	shalt  }
0x72: {  	_ =	shalt  }
0x73: {  	_ =	shalt  }
0x74: {  	_ =	shalt  }
0x75: {  	_ =	shalt  }
0x76: {  	_ =	shalt  }
0x77: {  	_ =	shalt  }
0x78: {  	_ =	shalt  }
0x79: {  	_ =	shalt  }
0x7a: {  	_ =	shalt  }
0x7b: {  	_ =	shalt  }
0x7c: {  	_ =	shalt  }
0x7d: {  	_ =	shalt  }
0x7e: {  	_ =	shalt  }
0x7f: {  	_ =	shalt  }
0x80: {  	_ =	shalt  }
0x81: {  	_ =	shalt  }
0x82: {  	_ =	shalt  }
0x83: {  	_ =	shalt  }
0x84: {  	_ =	shalt  }
0x85: {  	_ =	shalt  }
0x86: {  	_ =	shalt  }
0x87: {  	_ =	shalt  }
.Lfunc_end0:
.L_simem_size_0:
called_computation_lowered:
.L_overlay_start_0:
0x88: {  	s2 =	sld [smem:$0x3FD9]  }
0x89: {  	s3 =	sld [smem:$0x3FFE];
	_ =	sdelay $0x1  }
0x8a: {  	s1 =	srdreg.scid  }
0x8b: {  	s0 =	sand.u32 $0x1, s1  }
0x8c: {  	s15 =	sshll.u32 s0, $0xA;
	s2 =	sadd.s32 s3, s2  }
0x8d: {  	s2 =	sadd.s32 s2, s15  }
0x8e: {  	[smem:$0x3FC4] =	sst s2  }
0x8f: {  	_ = 	snop  }
0x90: {  	s2 =	sld [smem:$0x3FD0];
	_ =	sdelay $0x1  }
0x91: {  	s16 =	sld [smem:$0x3FC9]  }
0x92: {  	s5 =	simm.s32 $0xB;
	s6 =	simm.s32 $0x10;
	s4 =	sld [smem:$0x3FC8]  }
0x93: {  	[smem:s6], [sflag:s5] =	dma.local [hbm:s2], $0x1  }
0x94: {  	_ =	swait.eq [sflag:s5], $0x1  }
0x95: {  	[sflag:s5] =	ssyncset.done $0x0  }
0x96: {  	s17 =	sld [smem:$0x11];
	[sflag:s5] =	ssyncadd.s32 $0xFFFFFFFF  }
0x97: {  	s18 =	sld [smem:$0x12];
	(tm) =	ssettm $0x1  }
0x98: {  	s19 =	sld [smem:$0x3FFB];
	_ =	sdelay $0x3  }
0x99: {  	_ =	strace s19  }
0x9a: {  	s6 =	sld [smem:$0x3FFC];
	_ =	sdelay $0x3  }
0x9b: {  	_ =	strace s6  }
0x9c: {  	s6 =	sld [smem:$0x3FFD];
	_ =	sdelay $0x3  }
0x9d: {  	_ =	strace s6  }
0x9e: {  	_ =	strace $0x8FFFFFFF  }
0x9f: {  	s20 =	sld [smem:$0x3FDB];
	_ =	sdelay $0x1  }
0xa0: {  	s7 =	simm.s32 $_scs_section_size  }
0xa1: {  	s8 =	simm.s32 $_size__tile_overlayer_lowered;
	s9 =	simm.s32 $_tile_overlayer_lowered  }
0xa2: {  	s23 =	simm.s32 $0x1BFF;
	s22 =	sshll.u32 s9, $0x1;
	s6 =	sadd.s32 s7, s20  }
0xa3: {  	s10 =	simm.s32 $0x0;
	s21 =	sshll.u32 s8, $0x1;
	s8 =	sadd.s32 s22, s6  }
0xa4: {  	[timem:s10], [sflag:s23] =	dma.local [hbm:s8], s21  }
0xa5: {  	_ =	swait.ge [sflag:s23], s21  }
0xa6: {  	s7 =	ssub.s32 $0x0, s21;
	[sflag:s23] =	ssyncset.done $0x0  }
0xa7: {  	[sflag:s23] =	ssyncadd.s32 s7;
	_ =	sdelay $0x1  }
0xa8: {  	s24 =	simm.s32 $0x1B8B  }
0xa9: {  	_ =	swait.ge [sflag:s24], $0x1  }
0xaa: {  	[sflag:s24] =	ssyncset.done $0x0  }
0xab: {  	s25 =	simm.s32 $0x1B8E;
	[sflag:s24] =	ssyncadd.s32 $0xFFFFFFFF  }
0xac: {  	s26 =	simm.s32 $execute0_lowered;
	[smem:$0x3FD2] =	sst s25  }
0xad: {  	s7 =	sshll.u32 s26, $0x1;
	_ =	strace $0x80000046;
	[dreg:$0x1] =	wrdreg $0xFFFFFFFF  }
0xae: {  	s28 =	simm.s32 $_size_execute0_lowered;
	s6 =	sadd.s32 s6, s7;
	[dreg:$0x0] =	wrdreg $0x0  }
0xaf: {  	s7 =	sshll.u32 s28, $0x1;
	[dreg:$0x2] =	wrdreg s6  }
0xb0: {  	[dreg:$0x3] =	wrdreg s7  }
0xb1: {  	[dreg:$0x4] =	wrdreg $0xC0  }
0xb2: {  	_ =	task [dreg:s10], $0x5FFFF  }
0xb3: {  	[dreg:$0x1] =	wrdreg $0xFFFFFFFF  }
0xb4: {  	[dreg:$0x0] =	wrdreg $0x60  }
0xb5: {  	[dreg:$0x2] =	wrdreg s16  }
0xb6: {  	[dreg:$0x3] =	wrdreg s4  }
0xb7: {  	[dreg:$0x4] =	wrdreg s17  }
0xb8: {  	[dreg:$0x5] =	wrdreg s18  }
0xb9: {  	[dreg:$0x6] =	wrdreg $0x9  }
0xba: {  	_ =	task.clear_ibuf [dreg:s10], $0x7FFFF;
	_ =	strace $0x90000046  }
0xbb: {  	s29 =	simm.s32 $0x9;
	_ =	strace $0x80000048  }
0xbc: {  	_ =	swait.ge [sflag:s29], $0x1  }
0xbd: {  	[sflag:s29] =	ssyncadd.s32 $0xFFFFFFFF  }
0xbe: {  	_ =	strace $0x90000048  }
0xbf: {  	_ =	sfence  }
0xc0: {  	s30 =	sld [smem:$0x0];
	_ =	sdelay $0x2  }
0xc1: {  	s31 =	sshll.u32 s1, $0xD;
	s1 =	sshrl.u32 s1, $0x2  }
0xc2: {  	s3 =	sand.u32 $0x4000, s31;
	s1 =	sadd.s32 s1, s30  }
0xc3: {  	s0 =	sor.u32 s3, s0;
	s1 =	sshll.u32 s1, $0x11  }
0xc4: {  	s0 =	sor.u32 s1, s0  }
0xc5: {  	s0 =	sadd.s32 $0x8F2B, s0  }
0xc6: {  	[sflag:s0] =	ssyncadd.remote.s32 $0x1  }
0xc7: {  	_ =	sfence.sel $0xFFFF  }
0xc8: {  	[dreg:$0x0] =	wrdreg $0xFFFFFFFF;
	(pc) =	sbr.abs _section_cstart, $3  }
0xc9: {  	[dreg:$0x1] =	wrdreg $0xFFFFFFFF  }
0xca: {  	_ =	task.clear_ibuf [dreg:s10], $0x2FFFF;
	_ =	strace $0x9FFFFFFF  }
0xcb: {  	(tm) =	ssettm $0x7FFFFFFF  }
tec
execute0_lowered:
.L_overlay_start_1:
0x0: {  	(tag) =	ssettag $0x1  }
0x1: {  	s3 =	rddreg [dreg:$0x0]  }
0x2: {  	s5 =	rddreg [dreg:$0x1]  }
0x3: {  	s4 =	rddreg [dreg:$0x2];
	s1 =	srdreg.scid  }
0x4: {  	s0 =	stileid.u32;
	s6 =	rddreg [dreg:$0x3]  }
0x5: {  	s7 =	sand.u32 $0x1, s1;
	s2 =	sshll.u32 s0, $0x1;
	s1 =	rddreg [dreg:$0x4]  }
0x6: {  	s8 =	sor.u32 s7, s2;
	s2 =	simm.s32 $0x0;
	s7 =	ssub.s32 $0x2, s7  }
0x7: {  	s8 =	smul.u32 $0x500, s8;
	[smem:$0x7FF] =	sst s2;
	s9 =	sshrl.u32 s7, $0x1  }
0x8: {  	_ =	strace $0x80000047;
	s7 =	ssub.s32 s7, s9;
	s9 =	simm.s32 $0x0  }
0x9: {  	s3 =	sadd.s32 s3, s8;
	s4 =	sadd.s32 s4, s8;
	s5 =	sadd.s32 s5, s8  }
0xa: {  	s6 =	sadd.s32 s6, s8;
	s7 =	smax.u32 s7, $0x1;
	s8 =	simm.s32 $0x1  }
.LBB2_1:
0xb: {  	[tilespmem:s2], [sflag:$0x1] =	stream.linear.gather [hbm4b:s3+s2], $0x2800, $0x38;
	[tilespmem:$0x2800] =	vst v63  }
0xc: {  	_ =	swait.ge [sflag:s8], $0x2800  }
0xd: {  	[sflag:s8] =	ssyncset.done $0x0  }
0xe: {  	s10 =	simm.s32 $0x0;
	s11 =	simm.s32 $0x40;
	[sflag:s8] =	ssyncadd.s32 $0xFFFFD800  }
.LBB2_2:
0xf: {  	p0 =	sne.s32 s11, $0x9FC0;
	v0 =	vld [tilespmem:s10+$0x0];
	_ =	sdelay $0x4  }
.Ltmp0:
0x10: {  	vm0 =	vgt.s32 v0, $0x1E847F;
	v1 =	vadd.s32 $0xFFE17B80, v0;
	(pc) =	sbr.rel @p0 .LBB2_2-.Ltmp0, $4  }
0x11: {  	v0 =	vsel vm0, v1, v0  }
0x12: {  	vm0 =	vgt.s32 v0, $0xF423F;
	v1 =	vadd.s32 $0xFFF0BDC0, v0  }
0x13: {  	v0 =	vsel vm0, v1, v0  }
0x14: {  	[tilespmem:s10+$0x0] =	vst v0;
	s10 =	sshra.s32 s11, $0x2;
	s11 =	sadd.s32 $0x40, s11  }
0x15: {  	v0 =	vld [tilespmem:s10+$0x0];
	_ =	sdelay $0x4  }
0x16: {  	vm0 =	vgt.s32 v0, $0x1E847F;
	v1 =	vadd.s32 $0xFFE17B80, v0  }
0x17: {  	v0 =	vsel vm0, v1, v0  }
0x18: {  	vm0 =	vgt.s32 v0, $0xF423F;
	v1 =	vadd.s32 $0xFFF0BDC0, v0  }
0x19: {  	v0 =	vsel vm0, v1, v0  }
0x1a: {  	s31 =	simm.s32 $0x0;
	[tilespmem:s10+$0x0] =	vst v0  }
0x1b: {  	[hbm4b:s4+s31] =	stream.linear.scatter [tilespmem:s31], [sflag:$0x1], $0x2800, $0x38;
	[tilespmem:$0x2800] =	vst v63  }
0x1c: {  	_ =	swait.ge [sflag:s8], $0x2800  }
0x1d: {  	[sflag:s8] =	ssyncset.done $0x0  }
0x1e: {  	[sflag:s8] =	ssyncadd.s32 $0xFFFFD800  }
0x1f: {  	[tilespmem:s31], [sflag:$0x1] =	stream.linear.gather [hbm4b:s5+s31], $0x2800, $0x38;
	[tilespmem:$0x2800] =	vst v63  }
0x20: {  	_ =	swait.ge [sflag:s8], $0x2800  }
0x21: {  	[sflag:s8] =	ssyncset.done $0x0  }
0x22: {  	s11 =	simm.s32 $0x40;
	s10 =	simm.s32 $0x0;
	[sflag:s8] =	ssyncadd.s32 $0xFFFFD800  }
.LBB2_4:
0x23: {  	p0 =	sne.s32 s11, $0x9FC0;
	v0 =	vld [tilespmem:s10+$0x0];
	_ =	sdelay $0x4  }
.Ltmp1:
0x24: {  	vm0 =	vgt.s32 v0, $0x1E847F;
	v1 =	vadd.s32 $0xFFE17B80, v0;
	(pc) =	sbr.rel @p0 .LBB2_4-.Ltmp1, $4  }
0x25: {  	v0 =	vsel vm0, v1, v0  }
0x26: {  	vm0 =	vgt.s32 v0, $0xF423F;
	v1 =	vadd.s32 $0xFFF0BDC0, v0  }
0x27: {  	v0 =	vsel vm0, v1, v0  }
0x28: {  	[tilespmem:s10+$0x0] =	vst v0;
	s10 =	sshra.s32 s11, $0x2;
	s11 =	sadd.s32 $0x40, s11  }
0x29: {  	v0 =	vld [tilespmem:s10+$0x0];
	_ =	sdelay $0x4  }
0x2a: {  	vm0 =	vgt.s32 v0, $0x1E847F;
	v1 =	vadd.s32 $0xFFE17B80, v0  }
0x2b: {  	v0 =	vsel vm0, v1, v0  }
0x2c: {  	s9 =	sadd.s32 $0x1, s9;
	vm0 =	vgt.s32 v0, $0xF423F;
	v1 =	vadd.s32 $0xFFF0BDC0, v0  }
0x2d: {  	p0 =	sne.s32 s9, s7;
	v0 =	vsel vm0, v1, v0  }
.Ltmp2:
0x2e: {  	[tilespmem:s10+$0x0] =	vst v0;
	(pc) =	sbr.rel @p0 .LBB2_1-.Ltmp2, $4  }
0x2f: {  	[hbm4b:s6+s2] =	stream.linear.scatter [tilespmem:s2], [sflag:$0x1], $0x2800, $0x38;
	[tilespmem:$0x2800] =	vst v63  }
0x30: {  	_ =	swait.ge [sflag:s8], $0x2800  }
0x31: {  	[sflag:s8] =	ssyncset.done $0x0  }
0x32: {  	[sflag:s8] =	ssyncadd.s32 $0xFFFFD800  }
0x33: {  	_ =	sfence.sel $0x180000  }
0x34: {  	[bflag:$0x0] =	sbarrier.arrive $0xFFFF  }
0x35: {  	p0 =	sne.s32 s0, $0x0;
	_ =	strace $0x90000047  }
0x36: {  	s0 =	sadd.s32 @!p0 $0x100000, s1;
	[bflag:$0x2] =	sbarrier.arrive $0xFFFF  }
0x37: {  	[sflag:s0] =	ssyncadd.tile.s32 @!p0 $0x1;
	_ =	shalt  }
.Lfunc_end2:
_tile_overlayer_lowered:
.L_overlay_start_2:
0x38: {  	(tag) =	ssettag $0x2  }
0x39: {  	s0 =	rddreg [dreg:$0x0];
	s2 =	stileid.u32  }
0x3a: {  	s1 =	rddreg [dreg:$0x1];
	p0 =	sne.s32 s2, $0x0  }
0x3b: {  	s3 =	rddreg [dreg:$0x2];
	[bflag:$0x3] =	sbarrier.arrive $0xFFFF;
	s2 =	simm.s32 @!p0 $0x1C01  }
0x3c: {  	[timem:s3], [sflag:s2] =	dma.local @!p0 [hbm:s0], s1  }
0x3d: {  	s0 =	simm.s32 @!p0 $0x1  }
0x3e: {  	_ =	swait.ge @!p0 [sflag:s0], s1  }
0x3f: {  	s1 =	ssub.s32 @!p0 $0x0, s1;
	[sflag:s0] =	ssyncset.done @!p0 $0x0  }
0x40: {  	[sflag:s0] =	ssyncadd.s32 @!p0 s1  }
0x41: {  	[bflag:$0x3] =	sbarrier.arrive $0xFFFF  }
0x42: {  	_ =	shalt  }

// kernel: kernel.8.cloned.1.call-start
scs
__scs_entry_jumppad:
0x0: {  	(pc) =	sbr.rel $0x88, $3  }
0x1: {  	(tag) =	ssettag $0x0;
	lr =	simm.s32 $0x1  }
0x2: {  	[smem:$0x3F9D] =	sst lr;
	_ =	strace $0xD0000000  }
0x3: {  	_ = 	snop  }
0x4: {  	_ = 	snop  }
0x5: {  	_ = 	snop  }
0x6: {  	_ = 	snop  }
0x7: {  	_ = 	snop  }
__scs_overlays_trampoline_lowered:
0x8: {  	[smem:$0x3FAC] =	sst s0  }
0x9: {  	[smem:$0x3FAD] =	sst s1  }
0xa: {  	[smem:$0x3FAE] =	sst s2  }
0xb: {  	[smem:$0x3FAF] =	sst s3  }
0xc: {  	[smem:$0x3FB0] =	sst s4  }
0xd: {  	[smem:$0x3FB1] =	sst s5  }
0xe: {  	[smem:$0x3FB2] =	sst s6  }
0xf: {  	[smem:$0x3FB3] =	sst s7  }
0x10: {  	[smem:$0x3FB4] =	sst s8  }
0x11: {  	[smem:$0x3FB5] =	sst s9;
	s0 =	simm.s32 @!p0 $0x0  }
0x12: {  	s1 =	sld [smem:$0x3F9B];
	s0 =	simm.s32 @p0 $0x1  }
0x13: {  	[smem:$0x3FB6] =	sst s0;
	s0 =	simm.s32 @!p1 $0x0  }
0x14: {  	s2 =	sld [smem:$0x3F9A];
	s0 =	simm.s32 @p1 $0x1  }
0x15: {  	[smem:$0x3FB7] =	sst s0;
	s0 =	simm.s32 @!p2 $0x0  }
0x16: {  	s3 =	sld [smem:$0x3FDB];
	s0 =	simm.s32 @p2 $0x1  }
0x17: {  	s4 =	simm.s32 $0x1BF5;
	[smem:$0x3FB9] =	sst s0  }
0x18: {  	s0 =	sld [smem:$0x3F9C];
	_ =	swait.ge [sflag:s4], $0x0  }
0x19: {  	s7 =	sld [smem:$0x3F9D]  }
0x1a: {  	s8 =	sadd.s32 $0xFFFFE003, lr  }
0x1b: {  	s9 =	sadd.s32 $0xFFFFFEF7, lr;
	s5 =	simm.s32 $0xFFFFFFFF;
	p2 =	slt.u32 s8, $0xFFFFF086  }
0x1c: {  	p1 =	slt.u32 s9, $0xF7A;
	s5 =	simm.s32 @!p2 $0x0  }
0x1d: {  	s5 =	simm.s32 @p1 $0x1;
	p0 =	seq.s32 s7, s2  }
0x1e: {  	s7 =	smul.u32 @!p0 $0xF7A, s2;
	p2 =	seq.s32 @!p0 s5, $0x0  }
0x1f: {  	s9 =	smul.u32 $0xF7A, s1;
	s8 =	simm.s32 @!p0 $0x1BF5;
	p2 =	por !p2, p0  }
0x20: {  	[sflag:s8] =	ssyncset.s32 @!p0 $0xFFFFF086;
	s6 =	sadd.s32 @!p0 s3, s7;
	s7 =	simm.s32 @!p0 $0x108  }
0x21: {  	s3 =	sadd.s32 s3, s9;
	s6 =	sadd.s32 @!p0 $0x88, s6;
	s7 =	simm.s32 @p2 $0x1082  }
0x22: {  	[simem:s7], [sflag:s8] =	dma.local @!p0 [hbm:s6], $0xF7A  }
0x23: {  	s9 =	sor.u32 $0xD0000000, s2;
	s6 =	simm.s32 $0x108;
	_ =	swait.ge @!p0 [sflag:s8], $0x0  }
0x24: {  	s3 =	sadd.s32 $0x88, s3;
	s6 =	simm.s32 @!p1 $0x1082;
	[sflag:s4] =	ssyncset.s32 $0xFFFFF086  }
0x25: {  	[simem:s6], [sflag:s4] =	dma.local [hbm:s3], $0xF7A  }
0x26: {  	[smem:$0x3F9D] =	sst s1;
	(tag) =	ssettag s2;
	_ =	strace s9  }
0x27: {  	s1 =	sld [smem:$0x3FAD]  }
0x28: {  	s2 =	sld [smem:$0x3FAE]  }
0x29: {  	s4 =	sld [smem:$0x3FB0]  }
0x2a: {  	p0 =	seq.s32 s5, $0x0;
	s5 =	sld [smem:$0x3FB1]  }
0x2b: {  	s6 =	sld [smem:$0x3FB2]  }
0x2c: {  	s7 =	sld [smem:$0x3FB3]  }
0x2d: {  	s3 =	simm.s32 $0x108;
	s8 =	sld [smem:$0x3FB4]  }
0x2e: {  	s3 =	simm.s32 @!p0 $0x1082;
	s9 =	sld [smem:$0x3FB5]  }
0x2f: {  	lr =	sadd.s32 s0, s3;
	s0 =	sld [smem:$0x3FAC]  }
0x30: {  	s3 =	sld [smem:$0x3FAF]  }
0x31: {  	[smem:$0x3FB8] =	sst s10  }
0x32: {  	s10 =	sld [smem:$0x3FB6];
	_ =	sdelay $0x3  }
0x33: {  	p0 =	seq.s32 s10, $0x1;
	s10 =	sld [smem:$0x3FB8];
	_ =	sdelay $0x3  }
0x34: {  	[smem:$0x3FB8] =	sst s10  }
0x35: {  	s10 =	sld [smem:$0x3FB7];
	_ =	sdelay $0x3  }
0x36: {  	p1 =	seq.s32 s10, $0x1;
	s10 =	sld [smem:$0x3FB8];
	_ =	sdelay $0x3  }
0x37: {  	[smem:$0x3FB8] =	sst s10  }
0x38: {  	s10 =	sld [smem:$0x3FB9]  }
0x39: {  	_ = 	snop;
	(pc) =	sbr.ind lr, $3  }
0x3a: {  	_ = 	snop  }
0x3b: {  	_ = 	snop  }
0x3c: {  	p2 =	seq.s32 s10, $0x1;
	s10 =	sld [smem:$0x3FB8]  }
0x3d: {  	_ =	shalt  }
0x3e: {  	_ =	shalt  }
0x3f: {  	_ =	shalt  }
0x40: {  	_ =	shalt  }
0x41: {  	_ =	shalt  }
0x42: {  	_ =	shalt  }
0x43: {  	_ =	shalt  }
0x44: {  	_ =	shalt  }
0x45: {  	_ =	shalt  }
0x46: {  	_ =	shalt  }
0x47: {  	_ =	shalt  }
0x48: {  	_ =	shalt  }
0x49: {  	_ =	shalt  }
0x4a: {  	_ =	shalt  }
0x4b: {  	_ =	shalt  }
0x4c: {  	_ =	shalt  }
0x4d: {  	_ =	shalt  }
0x4e: {  	_ =	shalt  }
0x4f: {  	_ =	shalt  }
0x50: {  	_ =	shalt  }
0x51: {  	_ =	shalt  }
0x52: {  	_ =	shalt  }
0x53: {  	_ =	shalt  }
0x54: {  	_ =	shalt  }
0x55: {  	_ =	shalt  }
0x56: {  	_ =	shalt  }
0x57: {  	_ =	shalt  }
0x58: {  	_ =	shalt  }
0x59: {  	_ =	shalt  }
0x5a: {  	_ =	shalt  }
0x5b: {  	_ =	shalt  }
0x5c: {  	_ =	shalt  }
0x5d: {  	_ =	shalt  }
0x5e: {  	_ =	shalt  }
0x5f: {  	_ =	shalt  }
0x60: {  	_ =	shalt  }
0x61: {  	_ =	shalt  }
0x62: {  	_ =	shalt  }
0x63: {  	_ =	shalt  }
0x64: {  	_ =	shalt  }
0x65: {  	_ =	shalt  }
0x66: {  	_ =	shalt  }
0x67: {  	_ =	shalt  }
0x68: {  	_ =	shalt  }
0x69: {  	_ =	shalt  }
0x6a: {  	_ =	shalt  }
0x6b: {  	_ =	shalt  }
0x6c: {  	_ =	shalt  }
0x6d: {  	_ =	shalt  }
0x6e: {  	_ =	shalt  }
0x6f: {  	_ =	shalt  }
0x70: {  	_ =	shalt  }
0x71: {  	_ =	shalt  }
0x72: {  	_ =	shalt  }
0x73: {  	_ =	shalt  }
0x74: {  	_ =	shalt  }
0x75: {  	_ =	shalt  }
0x76: {  	_ =	shalt  }
0x77: {  	_ =	shalt  }
0x78: {  	_ =	shalt  }
0x79: {  	_ =	shalt  }
0x7a: {  	_ =	shalt  }
0x7b: {  	_ =	shalt  }
0x7c: {  	_ =	shalt  }
0x7d: {  	_ =	shalt  }
0x7e: {  	_ =	shalt  }
0x7f: {  	_ =	shalt  }
0x80: {  	_ =	shalt  }
0x81: {  	_ =	shalt  }
0x82: {  	_ =	shalt  }
0x83: {  	_ =	shalt  }
0x84: {  	_ =	shalt  }
0x85: {  	_ =	shalt  }
0x86: {  	_ =	shalt  }
0x87: {  	_ =	shalt  }
.Lfunc_end0:
.L_simem_size_0:
called_computation.1_lowered:
.L_overlay_start_0:
0x88: {  	s2 =	sld [smem:$0x3FD9]  }
0x89: {  	s3 =	sld [smem:$0x3FFE];
	_ =	sdelay $0x1  }
0x8a: {  	s1 =	srdreg.scid  }
0x8b: {  	s0 =	sand.u32 $0x1, s1  }
0x8c: {  	s14 =	sshll.u32 s0, $0xA;
	s2 =	sadd.s32 s3, s2  }
0x8d: {  	s2 =	sadd.s32 s2, s14  }
0x8e: {  	[smem:$0x3FC4] =	sst s2  }
0x8f: {  	_ = 	snop  }
0x90: {  	s2 =	sld [smem:$0x3FD0];
	_ =	sdelay $0x2  }
0x91: {  	s15 =	simm.s32 $0xB;
	s4 =	simm.s32 $0x10  }
0x92: {  	[smem:s4], [sflag:s15] =	dma.local [hbm:s2], $0x1  }
0x93: {  	_ =	swait.eq [sflag:s15], $0x1  }
0x94: {  	[sflag:s15] =	ssyncset.done $0x0  }
0x95: {  	[sflag:s15] =	ssyncadd.s32 $0xFFFFFFFF  }
0x96: {  	s16 =	sld [smem:$0x11];
	(tm) =	ssettm $0x1  }
0x97: {  	s17 =	sld [smem:$0x3FFB];
	_ =	sdelay $0x3  }
0x98: {  	_ =	strace s17  }
0x99: {  	s3 =	sld [smem:$0x3FFC];
	_ =	sdelay $0x3  }
0x9a: {  	_ =	strace s3  }
0x9b: {  	s3 =	sld [smem:$0x3FFD];
	_ =	sdelay $0x3  }
0x9c: {  	_ =	strace s3  }
0x9d: {  	_ =	strace $0x8FFFFFFF  }
0x9e: {  	s18 =	sld [smem:$0x3FDB];
	_ =	sdelay $0x1  }
0x9f: {  	s19 =	simm.s32 $_scs_section_size  }
0xa0: {  	s5 =	simm.s32 $_size__tile_overlayer_lowered;
	s6 =	simm.s32 $_tile_overlayer_lowered  }
0xa1: {  	s22 =	simm.s32 $0x1BFF;
	s21 =	sshll.u32 s6, $0x1;
	s3 =	sadd.s32 s19, s18  }
0xa2: {  	s7 =	simm.s32 $0x0;
	s20 =	sshll.u32 s5, $0x1;
	s5 =	sadd.s32 s21, s3  }
0xa3: {  	[timem:s7], [sflag:s22] =	dma.local [hbm:s5], s20  }
0xa4: {  	_ =	swait.ge [sflag:s22], s20  }
0xa5: {  	s4 =	ssub.s32 $0x0, s20;
	[sflag:s22] =	ssyncset.done $0x0  }
0xa6: {  	[sflag:s22] =	ssyncadd.s32 s4;
	_ =	sdelay $0x1  }
0xa7: {  	s23 =	simm.s32 $0x1B8B  }
0xa8: {  	_ =	swait.ge [sflag:s23], $0x1  }
0xa9: {  	[sflag:s23] =	ssyncset.done $0x0  }
0xaa: {  	s25 =	simm.s32 $0x1B8E;
	s24 =	sld [smem:$0x3FFE];
	[sflag:s23] =	ssyncadd.s32 $0xFFFFFFFF  }
0xab: {  	s26 =	simm.s32 $execute0_lowered;
	[smem:$0x3FD2] =	sst s25  }
0xac: {  	s5 =	sshll.u32 s26, $0x1;
	_ =	strace $0x80000049;
	[dreg:$0x1] =	wrdreg $0xFFFFFFFF  }
0xad: {  	s28 =	simm.s32 $_size_execute0_lowered;
	s3 =	sadd.s32 s3, s5;
	[dreg:$0x0] =	wrdreg $0x0  }
0xae: {  	s5 =	sshll.u32 s28, $0x1;
	[dreg:$0x2] =	wrdreg s3  }
0xaf: {  	[dreg:$0x3] =	wrdreg s5  }
0xb0: {  	[dreg:$0x4] =	wrdreg $0xC0  }
0xb1: {  	_ =	task [dreg:s7], $0x5FFFF  }
0xb2: {  	[dreg:$0x1] =	wrdreg $0xFFFFFFFF  }
0xb3: {  	[dreg:$0x0] =	wrdreg $0x60  }
0xb4: {  	[dreg:$0x2] =	wrdreg s16  }
0xb5: {  	[dreg:$0x3] =	wrdreg s24  }
0xb6: {  	[dreg:$0x4] =	wrdreg $0x9  }
0xb7: {  	_ =	task.clear_ibuf [dreg:s7], $0x5FFFF;
	_ =	strace $0x90000049  }
0xb8: {  	s29 =	simm.s32 $0x9;
	_ =	strace $0x8000004B  }
0xb9: {  	_ =	swait.ge [sflag:s29], $0x1  }
0xba: {  	[sflag:s29] =	ssyncadd.s32 $0xFFFFFFFF  }
0xbb: {  	_ =	strace $0x9000004B  }
0xbc: {  	_ =	sfence  }
0xbd: {  	s30 =	sld [smem:$0x0];
	_ =	sdelay $0x2  }
0xbe: {  	s31 =	sshll.u32 s1, $0xD;
	s1 =	sshrl.u32 s1, $0x2  }
0xbf: {  	s3 =	sand.u32 $0x4000, s31;
	s1 =	sadd.s32 s1, s30  }
0xc0: {  	s0 =	sor.u32 s3, s0;
	s1 =	sshll.u32 s1, $0x11  }
0xc1: {  	s0 =	sor.u32 s1, s0  }
0xc2: {  	s0 =	sadd.s32 $0x8F2B, s0  }
0xc3: {  	[sflag:s0] =	ssyncadd.remote.s32 $0x1  }
0xc4: {  	_ =	sfence.sel $0xFFFF  }
0xc5: {  	[dreg:$0x0] =	wrdreg $0xFFFFFFFF;
	(pc) =	sbr.abs _section_cstart, $3  }
0xc6: {  	[dreg:$0x1] =	wrdreg $0xFFFFFFFF  }
0xc7: {  	_ =	task.clear_ibuf [dreg:s7], $0x2FFFF;
	_ =	strace $0x9FFFFFFF  }
0xc8: {  	(tm) =	ssettm $0x7FFFFFFF  }
0xc9: {  	_ =	shalt  }
tec
execute0_lowered:
.L_overlay_start_1:
0x0: {  	(tag) =	ssettag $0x1  }
0x1: {  	s4 =	rddreg [dreg:$0x0]  }
0x2: {  	s1 =	srdreg.scid;
	s0 =	stileid.u32  }
0x3: {  	s2 =	rddreg [dreg:$0x1];
	s3 =	simm.s32 $0x0;
	s9 =	simm.s32 $0x2800  }
0x4: {  	s10 =	simm.s32 $0x2C00;
	s11 =	simm.s32 $0x800;
	s12 =	simm.s32 $0x3000  }
0x5: {  	s13 =	simm.s32 $0xC00;
	s14 =	simm.s32 $0x3400;
	s15 =	simm.s32 $0x3800  }
0x6: {  	s16 =	simm.s32 $0x1;
	s17 =	simm.s32 $0x2;
	s18 =	simm.s32 $0x3  }
0x7: {  	s19 =	simm.s32 $0x4;
	s20 =	simm.s32 $0x5;
	s21 =	simm.s32 $0x3C00  }
0x8: {  	s5 =	sand.u32 $0x1, s1;
	s6 =	sshll.u32 s0, $0x1;
	s1 =	rddreg [dreg:$0x2]  }
0x9: {  	s22 =	simm.s32 $0x0;
	[smem:$0x7FF] =	sst s3;
	s6 =	sor.u32 s5, s6  }
0xa: {  	s5 =	ssub.s32 $0x2, s5;
	s7 =	smul.u32 $0x500, s6;
	s6 =	sshll.u32 s6, $0x1  }
0xb: {  	_ =	strace $0x8000004A;
	s8 =	sshrl.u32 s5, $0x1;
	s6 =	sadd.s32 s6, s2  }
0xc: {  	s8 =	ssub.s32 s5, s8;
	s4 =	sadd.s32 s4, s7;
	s5 =	sadd.s32 $0x1EA00, s6  }
0xd: {  	s6 =	smax.u32 s8, $0x1;
	s7 =	simm.s32 $0x6;
	s8 =	simm.s32 $0x400  }
.LBB2_1:
0xe: {  	[tilespmem:s3], [sflag:$0x6] =	stream.linear.gather [hbm4b:s4+s3], $0x2800, $0x38;
	[tilespmem:$0x3C10] =	vst v63  }
0xf: {  	_ =	swait.ge [sflag:s7], $0x2800  }
0x10: {  	[sflag:s7] =	ssyncset.done $0x0  }
0x11: {  	[sflag:s7] =	ssyncadd.s32 $0xFFFFD800  }
0x12: {  	[tilespmem:s9], [sflag:$0x1] =	stream.indirect.gather [hbm4b:s2+s8], $0x1, s3, s8, $0xb8;
	[tilespmem:$0x3C10] =	vst v63  }
0x13: {  	_ = 	snop  }
0x14: {  	[tilespmem:s10], [sflag:$0x2] =	stream.indirect.gather [hbm4b:s2+s8], $0x1, s8, s8, $0xb8;
	[tilespmem:$0x3C10] =	vst v63  }
0x15: {  	_ = 	snop  }
0x16: {  	[tilespmem:s12], [sflag:$0x3] =	stream.indirect.gather [hbm4b:s2+s8], $0x1, s11, s8, $0xb8;
	[tilespmem:$0x3C10] =	vst v63  }
0x17: {  	v0 =	vimm.f32 $0.0e+00;
	p1 =	por $0x1, $0x1;
	s23 =	simm.s32 $0x1000  }
0x18: {  	v1 =	vimm.f32 $0.0e+00;
	v2 =	vimm.f32 $0.0e+00;
	v3 =	vimm.f32 $0.0e+00;
	[tilespmem:s14], [sflag:$0x4] =	stream.indirect.gather [hbm4b:s2+s8], $0x1, s13, s8, $0xb8;
	[tilespmem:$0x3C10] =	vst v63  }
.LBB2_2:
0x19: {  	[tilespmem:s15], [sflag:$0x5] =	stream.indirect.gather [hbm4b:s2+s8], $0x1, s23, s8, $0xb8;
	[tilespmem:$0x3C10] =	vst v63  }
0x1a: {  	_ =	swait.ge [sflag:s16], $0x400  }
0x1b: {  	[sflag:s16] =	ssyncset.done $0x0  }
0x1c: {  	s24 =	simm.s32 $0x0;
	[sflag:s16] =	ssyncadd.s32 $0xFFFFFC00  }
0x1d: {  	v7 =	vld [tilespmem:s24+$0x2830]  }
0x1e: {  	v8 =	vld [tilespmem:s24+$0x2800]  }
0x1f: {  	v6 =	vld [tilespmem:s24+$0x2810]  }
0x20: {  	p0 =	por p1, p1;
	s23 =	simm.s32 $0x100;
	v9 =	vld [tilespmem:s24+$0x2820]  }
.LBB2_3:
0x21: {  	p1 =	sne.s32 s23, $0xF00  }
.Ltmp0:
0x22: {  	s24 =	sshra.s32 s23, $0x2;
	s23 =	sadd.s32 $0x100, s23;
	v0 =	vadd.f32 v7, v0;
	(pc) =	sbr.rel @p1 .LBB2_3-.Ltmp0, $4  }
0x23: {  	v7 =	vld [tilespmem:s24+$0x2830];
	v3 =	vadd.f32 v8, v3  }
0x24: {  	v8 =	vld [tilespmem:s24+$0x2800];
	v2 =	vadd.f32 v6, v2  }
0x25: {  	v6 =	vld [tilespmem:s24+$0x2810];
	v1 =	vadd.f32 v9, v1  }
0x26: {  	v9 =	vld [tilespmem:s24+$0x2820]  }
0x27: {  	s23 =	simm.s32 @p0 $0x400;
	s24 =	simm.s32 @p0 $0x1400;
	s25 =	simm.s32 @p0 $0x2800  }
0x28: {  	[tilespmem:s25], [sflag:$0x1] =	stream.indirect.gather @p0 [hbm4b:s2+s23], $0x1, s24, s23, $0xb8;
	[tilespmem:$0x3C10] =	vst v63  }
0x29: {  	_ =	swait.ge [sflag:s17], $0x400  }
0x2a: {  	[sflag:s17] =	ssyncset.done $0x0  }
0x2b: {  	s31 =	simm.s32 $0x0;
	[sflag:s17] =	ssyncadd.s32 $0xFFFFFC00  }
0x2c: {  	v4 =	vld [tilespmem:s31+$0x2C30]  }
0x2d: {  	v5 =	vld [tilespmem:s31+$0x2C00]  }
0x2e: {  	v0 =	vadd.f32 v7, v0;
	v3 =	vadd.f32 v8, v3;
	v8 =	vld [tilespmem:s31+$0x2C10]  }
0x2f: {  	s23 =	simm.s32 $0x100;
	v2 =	vadd.f32 v6, v2;
	v1 =	vadd.f32 v9, v1;
	v10 =	vld [tilespmem:s31+$0x2C20]  }
.LBB2_5:
0x30: {  	p1 =	sne.s32 s23, $0xF00  }
.Ltmp1:
0x31: {  	s24 =	sshra.s32 s23, $0x2;
	s23 =	sadd.s32 $0x100, s23;
	v0 =	vadd.f32 v4, v0;
	(pc) =	sbr.rel @p1 .LBB2_5-.Ltmp1, $4  }
0x32: {  	v4 =	vld [tilespmem:s24+$0x2C30];
	v3 =	vadd.f32 v5, v3  }
0x33: {  	v5 =	vld [tilespmem:s24+$0x2C00];
	v2 =	vadd.f32 v8, v2  }
0x34: {  	v8 =	vld [tilespmem:s24+$0x2C10];
	v1 =	vadd.f32 v10, v1  }
0x35: {  	v10 =	vld [tilespmem:s24+$0x2C20]  }
0x36: {  	s23 =	simm.s32 @p0 $0x400;
	s24 =	simm.s32 @p0 $0x1800;
	s25 =	simm.s32 @p0 $0x2C00  }
0x37: {  	[tilespmem:s25], [sflag:$0x2] =	stream.indirect.gather @p0 [hbm4b:s2+s23], $0x1, s24, s23, $0xb8;
	[tilespmem:$0x3C10] =	vst v63  }
0x38: {  	_ =	swait.ge [sflag:s18], $0x400  }
0x39: {  	[sflag:s18] =	ssyncset.done $0x0  }
0x3a: {  	s31 =	simm.s32 $0x0;
	[sflag:s18] =	ssyncadd.s32 $0xFFFFFC00  }
0x3b: {  	v6 =	vld [tilespmem:s31+$0x3030]  }
0x3c: {  	v7 =	vld [tilespmem:s31+$0x3000]  }
0x3d: {  	v0 =	vadd.f32 v4, v0;
	v3 =	vadd.f32 v5, v3;
	v9 =	vld [tilespmem:s31+$0x3010]  }
0x3e: {  	s23 =	simm.s32 $0x100;
	v2 =	vadd.f32 v8, v2;
	v1 =	vadd.f32 v10, v1;
	v8 =	vld [tilespmem:s31+$0x3020]  }
.LBB2_7:
0x3f: {  	p1 =	sne.s32 s23, $0xF00  }
.Ltmp2:
0x40: {  	s24 =	sshra.s32 s23, $0x2;
	s23 =	sadd.s32 $0x100, s23;
	v0 =	vadd.f32 v6, v0;
	(pc) =	sbr.rel @p1 .LBB2_7-.Ltmp2, $4  }
0x41: {  	v6 =	vld [tilespmem:s24+$0x3030];
	v3 =	vadd.f32 v7, v3  }
0x42: {  	v7 =	vld [tilespmem:s24+$0x3000];
	v2 =	vadd.f32 v9, v2  }
0x43: {  	v9 =	vld [tilespmem:s24+$0x3010];
	v1 =	vadd.f32 v8, v1  }
0x44: {  	v8 =	vld [tilespmem:s24+$0x3020]  }
0x45: {  	s23 =	simm.s32 @p0 $0x400;
	s24 =	simm.s32 @p0 $0x1C00;
	s25 =	simm.s32 @p0 $0x3000  }
0x46: {  	[tilespmem:s25], [sflag:$0x3] =	stream.indirect.gather @p0 [hbm4b:s2+s23], $0x1, s24, s23, $0xb8;
	[tilespmem:$0x3C10] =	vst v63  }
0x47: {  	_ =	swait.ge [sflag:s19], $0x400  }
0x48: {  	[sflag:s19] =	ssyncset.done $0x0  }
0x49: {  	s31 =	simm.s32 $0x0;
	[sflag:s19] =	ssyncadd.s32 $0xFFFFFC00  }
0x4a: {  	v4 =	vld [tilespmem:s31+$0x3430]  }
0x4b: {  	v5 =	vld [tilespmem:s31+$0x3400]  }
0x4c: {  	v0 =	vadd.f32 v6, v0;
	v3 =	vadd.f32 v7, v3;
	v6 =	vld [tilespmem:s31+$0x3410]  }
0x4d: {  	s23 =	simm.s32 $0x100;
	v2 =	vadd.f32 v9, v2;
	v1 =	vadd.f32 v8, v1;
	v7 =	vld [tilespmem:s31+$0x3420]  }
.LBB2_9:
0x4e: {  	p1 =	sne.s32 s23, $0xF00  }
.Ltmp3:
0x4f: {  	s24 =	sshra.s32 s23, $0x2;
	s23 =	sadd.s32 $0x100, s23;
	v0 =	vadd.f32 v4, v0;
	(pc) =	sbr.rel @p1 .LBB2_9-.Ltmp3, $4  }
0x50: {  	v4 =	vld [tilespmem:s24+$0x3430];
	v3 =	vadd.f32 v5, v3  }
0x51: {  	v5 =	vld [tilespmem:s24+$0x3400];
	v2 =	vadd.f32 v6, v2  }
0x52: {  	v6 =	vld [tilespmem:s24+$0x3410];
	v1 =	vadd.f32 v7, v1  }
0x53: {  	v7 =	vld [tilespmem:s24+$0x3420]  }
0x54: {  	s23 =	simm.s32 @p0 $0x400;
	s24 =	simm.s32 @p0 $0x2000;
	s25 =	simm.s32 @p0 $0x3400  }
0x55: {  	[tilespmem:s25], [sflag:$0x4] =	stream.indirect.gather @p0 [hbm4b:s2+s23], $0x1, s24, s23, $0xb8;
	[tilespmem:$0x3C10] =	vst v63  }
0x56: {  	_ =	swait.ge [sflag:s20], $0x400  }
0x57: {  	[sflag:s20] =	ssyncset.done $0x0  }
0x58: {  	s31 =	simm.s32 $0x0;
	[sflag:s20] =	ssyncadd.s32 $0xFFFFFC00  }
0x59: {  	v8 =	vld [tilespmem:s31+$0x3830]  }
0x5a: {  	v9 =	vld [tilespmem:s31+$0x3800]  }
0x5b: {  	v0 =	vadd.f32 v4, v0;
	v3 =	vadd.f32 v5, v3;
	v4 =	vld [tilespmem:s31+$0x3810]  }
0x5c: {  	s23 =	simm.s32 $0x100;
	v2 =	vadd.f32 v6, v2;
	v1 =	vadd.f32 v7, v1;
	v5 =	vld [tilespmem:s31+$0x3820]  }
.LBB2_11:
0x5d: {  	p1 =	sne.s32 s23, $0xF00  }
.Ltmp4:
0x5e: {  	s24 =	sshra.s32 s23, $0x2;
	s23 =	sadd.s32 $0x100, s23;
	v0 =	vadd.f32 v8, v0;
	(pc) =	sbr.rel @p1 .LBB2_11-.Ltmp4, $4  }
0x5f: {  	v8 =	vld [tilespmem:s24+$0x3830];
	v3 =	vadd.f32 v9, v3  }
0x60: {  	v9 =	vld [tilespmem:s24+$0x3800];
	v2 =	vadd.f32 v4, v2  }
0x61: {  	v4 =	vld [tilespmem:s24+$0x3810];
	v1 =	vadd.f32 v5, v1  }
0x62: {  	v5 =	vld [tilespmem:s24+$0x3820]  }
.Ltmp5:
0x63: {  	_ = 	snop;
	(pc) =	sbr.rel @p0 .LBB2_2-.Ltmp5, $3  }
0x64: {  	_ =	sdelay $0x1  }
0x65: {  	v0 =	vadd.f32 v8, v0;
	v3 =	vadd.f32 v9, v3  }
0x66: {  	p1 =	por $0x0, $0x0;
	s23 =	simm.s32 $0x2400;
	v2 =	vadd.f32 v4, v2;
	v1 =	vadd.f32 v5, v1  }
0x67: {  	_ = 	snop  }
0x68: {  	v2 =	vadd.f32 v2, v3;
	v0 =	vadd.f32 v0, v1;
	_ =	sdelay $0x1  }
0x69: {  	s22 =	sadd.s32 $0x1, s22;
	v0 =	vadd.f32 v0, v2  }
0x6a: {  	p0 =	sne.s32 s22, s6  }
.Ltmp6:
0x6b: {  	[tilespmem:$0x3C00] =	vst v0;
	(pc) =	sbr.rel @p0 .LBB2_1-.Ltmp6, $4  }
0x6c: {  	[hbm4b:s5+s3] =	stream.linear.scatter [tilespmem:s21], [sflag:$0x6], $0x10, $0x38;
	[tilespmem:$0x3C10] =	vst v63  }
0x6d: {  	_ =	swait.ge [sflag:s7], $0x10  }
0x6e: {  	[sflag:s7] =	ssyncset.done $0x0  }
0x6f: {  	[sflag:s7] =	ssyncadd.s32 $0xFFFFFFF0  }
0x70: {  	_ =	sfence.sel $0x180000  }
0x71: {  	[bflag:$0x0] =	sbarrier.arrive $0xFFFF  }
0x72: {  	p0 =	sne.s32 s0, $0x0;
	_ =	strace $0x9000004A  }
0x73: {  	s0 =	sadd.s32 @!p0 $0x100000, s1;
	[bflag:$0x2] =	sbarrier.arrive $0xFFFF  }
0x74: {  	[sflag:s0] =	ssyncadd.tile.s32 @!p0 $0x1;
	_ =	shalt  }
.Lfunc_end2:
_tile_overlayer_lowered:
.L_overlay_start_2:
0x75: {  	(tag) =	ssettag $0x2  }
0x76: {  	s0 =	rddreg [dreg:$0x0];
	s2 =	stileid.u32  }
0x77: {  	s1 =	rddreg [dreg:$0x1];
	p0 =	sne.s32 s2, $0x0  }
0x78: {  	s3 =	rddreg [dreg:$0x2];
	[bflag:$0x3] =	sbarrier.arrive $0xFFFF;
	s2 =	simm.s32 @!p0 $0x1C06  }
0x79: {  	[timem:s3], [sflag:s2] =	dma.local @!p0 [hbm:s0], s1  }
0x7a: {  	s0 =	simm.s32 @!p0 $0x6  }
0x7b: {  	_ =	swait.ge @!p0 [sflag:s0], s1  }
0x7c: {  	s1 =	ssub.s32 @!p0 $0x0, s1;
	[sflag:s0] =	ssyncset.done @!p0 $0x0  }
0x7d: {  	[sflag:s0] =	ssyncadd.s32 @!p0 s1  }
0x7e: {  	[bflag:$0x3] =	sbarrier.arrive $0xFFFF  }
0x7f: {  	_ =	shalt  }

</sc_bundles>
